<compile_context>
chip_gen: v7x
topology: tpu7x:2x2x1
jax: 0.10.2.dev20260603
libtpu: 0.0.44.dev20260713+nightly
codegen_flags: <defaults>
</compile_context>

<pallas_src>
import functools

import numpy as np

import jax
import jax.numpy as jnp
from jax import lax
from jax.experimental import pallas as pl
from jax.experimental.pallas import tpu as pltpu
from jax.experimental.pallas import tpu_sc as plsc

E = 8
D_MODEL = 1024
D_OUT = 1024
S = 2048
CAP = 2 * S // E
NSLOT = E * CAP
ZROW = NSLOT
NPAD = 4608
STT = NSLOT + 16

NC, NS = 2, 16
NW = NC * NS
SLOTS_PER_W = NSLOT // NW
TOKS_PER_W = S // NW


def _gating_body(x_ref, wg_ref, gn_ref, ts1_ref, ts2_ref, g1_ref,
                 g2_ref, xi_ref):
    x = x_ref[...]
    wg = wg_ref[...]
    logits = lax.dot_general(x, wg, (((1,), (1,)), ((), ())),
                             preferred_element_type=jnp.float32)
    lanes = lax.broadcasted_iota(jnp.int32, (S, E), 1)

    m = jnp.max(logits, axis=1, keepdims=True)
    ex = jnp.exp(logits - m)
    gates = ex / jnp.sum(ex, axis=1, keepdims=True)

    m1 = jnp.max(logits, axis=1, keepdims=True)
    idx1 = jnp.min(jnp.where(logits == m1, lanes, E), axis=1, keepdims=True)
    mask1 = lanes == idx1

    lwn = logits + gn_ref[...]
    l2 = jnp.where(mask1, -jnp.inf, lwn)
    m2 = jnp.max(l2, axis=1, keepdims=True)
    idx2 = jnp.min(jnp.where(l2 == m2, lanes, E), axis=1, keepdims=True)
    mask2 = lanes == idx2

    m1f = mask1.astype(jnp.float32)
    m2f = mask2.astype(jnp.float32)

    cums = jnp.concatenate([m1f, m2f], axis=1)
    k = 1
    while k < S:
        z = jnp.zeros((k, 2 * E), jnp.float32)
        cums = cums + jnp.concatenate([z, cums[:-k]], axis=0)
        k *= 2
    loc1 = cums[:, :E] - 1.0
    n1tot = jnp.sum(m1f, axis=0, keepdims=True)
    loc2 = cums[:, E:] - 1.0 + n1tot

    c1 = jnp.sum(jnp.where(mask1, loc1, 0.0), axis=1, keepdims=True)
    c2 = jnp.sum(jnp.where(mask2, loc2, 0.0), axis=1, keepdims=True)
    v1 = c1 < CAP
    v2 = c2 < CAP

    g1r = jnp.where(v1, jnp.sum(jnp.where(mask1, gates, 0.0), axis=1,
                                keepdims=True), 0.0)
    g2r = jnp.where(v2, jnp.sum(jnp.where(mask2, gates, 0.0), axis=1,
                                keepdims=True), 0.0)
    denom = jnp.maximum(g1r + g2r, jnp.finfo(jnp.float32).eps)
    g1_ref[...] = jnp.reshape(g1r / denom, (S // 128, 128))
    g2_ref[...] = jnp.reshape(g2r / denom, (S // 128, 128))

    ts1 = jnp.where(v1, idx1 * CAP + c1.astype(jnp.int32), ZROW)
    ts2 = jnp.where(v2, idx2 * CAP + c2.astype(jnp.int32), ZROW)
    ts1_ref[...] = jnp.reshape(ts1, (S // 128, 128))
    ts2_ref[...] = jnp.reshape(ts2, (S // 128, 128))

    xpk = pltpu.pack_elementwise(
        [x[:, :D_MODEL // 2], x[:, D_MODEL // 2:]],
        packed_dtype=jnp.bfloat16)
    xi_ref[...] = lax.bitcast_convert_type(xpk, jnp.int32)


_gating_call = pl.pallas_call(
    _gating_body,
    out_shape=[
        jax.ShapeDtypeStruct((S // 128, 128), jnp.int32),
        jax.ShapeDtypeStruct((S // 128, 128), jnp.int32),
        jax.ShapeDtypeStruct((S // 128, 128), jnp.float32),
        jax.ShapeDtypeStruct((S // 128, 128), jnp.float32),
        jax.ShapeDtypeStruct((S, D_MODEL // 2), jnp.int32),
    ],
)


def _dispatch_body(ts1_hbm, ts2_hbm, g1_hbm, g2_hbm, x_hbm,
                   disp_hbm, gs_hbm,
                   ts1_v, ts2_v, g1_v, g2_v, stt_v, gs_v,
                   rows_a, rows_b, sem_a, sem_b):
    cid = lax.axis_index("c")
    sid = lax.axis_index("s")
    wid = sid * NC + cid
    sbase = wid * SLOTS_PER_W

    d1 = pltpu.async_copy(ts1_hbm, ts1_v, sem_a)
    d2 = pltpu.async_copy(ts2_hbm, ts2_v, sem_b)
    d3 = pltpu.async_copy(g1_hbm, g1_v, sem_a)
    d4 = pltpu.async_copy(g2_hbm, g2_v, sem_b)
    d1.wait()
    d2.wait()
    d3.wait()
    d4.wait()

    zi = jnp.zeros((16,), jnp.int32)
    zf = jnp.zeros((16,), jnp.float32)

    def zero_own(i, c):
        stt_v[pl.ds(sbase + i * 16, 16)] = zi
        gs_v[pl.ds(sbase + i * 16, 16)] = zf
        return c
    lax.fori_loop(0, SLOTS_PER_W // 16, zero_own, 0)

    base_ids = lax.iota(jnp.int32, 16)

    def scat_stt(i, c):
        sl = pl.ds(i * 16, 16)
        ids = base_ids + i * 16
        plsc.store_scatter(stt_v, [ts1_v[sl]], ids)
        plsc.store_scatter(stt_v, [ts2_v[sl]], ids)
        return c
    lax.fori_loop(0, S // 16, scat_stt, 0)

    def gather(q, dst, sem):
        sl = stt_v.at[pl.ds(sbase + q * 64, 64)]
        return pltpu.async_copy(x_hbm.at[sl], dst, sem)

    def write(q, src, sem):
        return pltpu.async_copy(src, disp_hbm.at[pl.ds(sbase + q * 64, 64)],
                                sem)

    da = gather(0, rows_a, sem_a)
    db = gather(1, rows_b, sem_b)

    def scat_gs(i, c):
        sl = pl.ds(i * 16, 16)
        plsc.store_scatter(gs_v, [ts1_v[sl]], g1_v[sl])
        plsc.store_scatter(gs_v, [ts2_v[sl]], g2_v[sl])
        return c
    lax.fori_loop(0, S // 16, scat_gs, 0)

    da.wait()
    wa = write(0, rows_a, sem_a)
    db.wait()
    wb = write(1, rows_b, sem_b)

    pltpu.sync_copy(gs_v.at[pl.ds(sbase, SLOTS_PER_W)],
                    gs_hbm.at[pl.ds(sbase, SLOTS_PER_W)])

    @pl.when(wid == 0)
    def _():
        def zero_pad(i, c):
            gs_v[pl.ds(NSLOT + i * 16, 16)] = zf
            return c
        lax.fori_loop(0, (NPAD - NSLOT) // 16, zero_pad, 0)
        pltpu.sync_copy(gs_v.at[pl.ds(NSLOT, NPAD - NSLOT)],
                        gs_hbm.at[pl.ds(NSLOT, NPAD - NSLOT)])

    wa.wait()
    wb.wait()


@functools.cache
def _get_dispatch_call():
  return pl.kernel(
    _dispatch_body,
    out_type=[
        jax.ShapeDtypeStruct((NPAD, D_MODEL // 2), jnp.int32),
        jax.ShapeDtypeStruct((NPAD,), jnp.float32),
    ],
    mesh=plsc.VectorSubcoreMesh(core_axis_name="c", subcore_axis_name="s",
                                num_cores=NC, num_subcores=NS),
    compiler_params=pltpu.CompilerParams(needs_layout_passes=False),
    scratch_types=[
        pltpu.VMEM((S,), jnp.int32),
        pltpu.VMEM((S,), jnp.int32),
        pltpu.VMEM((S,), jnp.float32),
        pltpu.VMEM((S,), jnp.float32),
        pltpu.VMEM((STT,), jnp.int32),
        pltpu.VMEM((NPAD,), jnp.float32),
        pltpu.VMEM((64, D_MODEL // 2), jnp.int32),
        pltpu.VMEM((64, D_MODEL // 2), jnp.int32),
        pltpu.SemaphoreType.DMA,
        pltpu.SemaphoreType.DMA,
    ],
  )


def _mm_body(d_ref, w_ref, b_ref, s_ref, y_ref):
    xi = d_ref[...]
    lo = pltpu.unpack_elementwise(
        xi, index=0, packed_dtype=jnp.bfloat16,
        unpacked_dtype=jnp.float32).astype(jnp.bfloat16)
    hi = pltpu.unpack_elementwise(
        xi, index=1, packed_dtype=jnp.bfloat16,
        unpacked_dtype=jnp.float32).astype(jnp.bfloat16)
    dims = (((1,), (1,)), ((), ()))
    w = w_ref[0].astype(jnp.bfloat16)
    y = lax.dot_general(lo, w[:, :D_MODEL // 2], dims,
                        preferred_element_type=jnp.float32)
    y += lax.dot_general(hi, w[:, D_MODEL // 2:], dims,
                         preferred_element_type=jnp.float32)
    y = y + b_ref[0]
    s = jnp.reshape(s_ref[...], (CAP, 1))
    y = jnp.where(s > 0.0, y * s, 0.0)
    ypk = pltpu.pack_elementwise(
        [y[:, :D_OUT // 2], y[:, D_OUT // 2:]], packed_dtype=jnp.bfloat16)
    y_ref[...] = lax.bitcast_convert_type(ypk, jnp.int32)


_mm_call = pl.pallas_call(
    _mm_body,
    grid=(NPAD // CAP,),
    in_specs=[
        pl.BlockSpec((CAP, D_MODEL // 2), lambda i: (i, 0)),
        pl.BlockSpec((1, D_OUT, D_MODEL),
                     lambda i: (jnp.minimum(i, E - 1), 0, 0)),
        pl.BlockSpec((1, 1, D_OUT), lambda i: (jnp.minimum(i, E - 1), 0, 0)),
        pl.BlockSpec((CAP,), lambda i: (i,)),
    ],
    out_specs=pl.BlockSpec((CAP, D_OUT // 2), lambda i: (i, 0)),
    out_shape=jax.ShapeDtypeStruct((NPAD, D_OUT // 2), jnp.int32),
)


_CCH = 16


def _combine_body(ts1_hbm, ts2_hbm, y_hbm, out_hbm,
                  ts1_v, ts2_v, a1, a2, b1, b2, oa, ob,
                  sa1, sa2, sb1, sb2, swa, swb):
    cid = lax.axis_index("c")
    sid = lax.axis_index("s")
    wid = sid * NC + cid
    base = wid * TOKS_PER_W

    pltpu.sync_copy(ts1_hbm.at[pl.ds(base, TOKS_PER_W)], ts1_v)
    pltpu.sync_copy(ts2_hbm.at[pl.ds(base, TOKS_PER_W)], ts2_v)

    def gather(c, d1, d2, s1, s2):
        g1 = pltpu.async_copy(y_hbm.at[ts1_v.at[pl.ds(c * _CCH, _CCH)]], d1, s1)
        g2 = pltpu.async_copy(y_hbm.at[ts2_v.at[pl.ds(c * _CCH, _CCH)]], d2, s2)
        return g1, g2

    def add_unpack(d1, d2, o):
        def addrow(r, c):
            @plsc.parallel_loop(0, D_OUT // 2, 16, unroll=8)
            def _(j):
                af = plsc.bitcast(d1[r, pl.ds(j, 16)], jnp.bfloat16)
                bf = plsc.bitcast(d2[r, pl.ds(j, 16)], jnp.bfloat16)
                lo, hi = plsc.unpack(af + bf,
                                     format=plsc.PackFormat.INTERLEAVED)
                o[r, pl.ds(j, 16)] = lo
                o[r, pl.ds(D_OUT // 2 + j, 16)] = hi
            return c
        lax.fori_loop(0, _CCH, addrow, 0)

    def write(o, c, sem):
        return pltpu.async_copy(o, out_hbm.at[pl.ds(base + c * _CCH, _CCH)],
                                sem)

    ga = gather(0, a1, a2, sa1, sa2)
    gb = gather(1, b1, b2, sb1, sb2)

    ga[0].wait(); ga[1].wait()
    add_unpack(a1, a2, oa)
    ga = gather(2, a1, a2, sa1, sa2)
    wa = write(oa, 0, swa)

    gb[0].wait(); gb[1].wait()
    add_unpack(b1, b2, ob)
    gb = gather(3, b1, b2, sb1, sb2)
    wb = write(ob, 1, swb)

    ga[0].wait(); ga[1].wait()
    wa.wait()
    add_unpack(a1, a2, oa)
    wa = write(oa, 2, swa)

    gb[0].wait(); gb[1].wait()
    wb.wait()
    add_unpack(b1, b2, ob)
    wb = write(ob, 3, swb)

    wa.wait()
    wb.wait()


@functools.cache
def _get_combine_call():
  return pl.kernel(
    _combine_body,
    out_type=jax.ShapeDtypeStruct((S, D_OUT), jnp.float32),
    mesh=plsc.VectorSubcoreMesh(core_axis_name="c", subcore_axis_name="s",
                                num_cores=NC, num_subcores=NS),
    compiler_params=pltpu.CompilerParams(needs_layout_passes=False),
    scratch_types=[
        pltpu.VMEM((TOKS_PER_W,), jnp.int32),
        pltpu.VMEM((TOKS_PER_W,), jnp.int32),
        pltpu.VMEM((_CCH, D_OUT // 2), jnp.int32),
        pltpu.VMEM((_CCH, D_OUT // 2), jnp.int32),
        pltpu.VMEM((_CCH, D_OUT // 2), jnp.int32),
        pltpu.VMEM((_CCH, D_OUT // 2), jnp.int32),
        pltpu.VMEM((_CCH, D_OUT), jnp.float32),
        pltpu.VMEM((_CCH, D_OUT), jnp.float32),
        pltpu.SemaphoreType.DMA,
        pltpu.SemaphoreType.DMA,
        pltpu.SemaphoreType.DMA,
        pltpu.SemaphoreType.DMA,
        pltpu.SemaphoreType.DMA,
        pltpu.SemaphoreType.DMA,
    ],
  )


@jax.jit
def kernel(x, wg, We, be, gnoise):
    x2 = x.reshape(-1, x.shape[-1])
    ts1, ts2, g1, g2, xi = _gating_call(x2, wg, gnoise)
    ts1 = ts1.reshape(-1)
    ts2 = ts2.reshape(-1)
    disp, gs = _get_dispatch_call()(ts1, ts2, g1.reshape(-1), g2.reshape(-1),
                                    xi)
    y = _mm_call(disp, We, be.reshape(E, 1, D_OUT), gs)
    out = _get_combine_call()(ts1, ts2, y)
    return out.reshape(x.shape)

# --- scband reference (transcript-rebuilt; emitter-appended) ---
"""Pipeline reference for scband-generalized-dense-mo-e-16621523435695 (READ-ONLY COPY).

The authoritative reference and input builder live on the scoring server;
editing this copy changes nothing except your own understanding.
"""

import jax, jax.numpy as jnp
import numpy as np

E = 8
D_MODEL = 1024
D_OUT = 1024
SEQ = 8
TOK = 256
NUM_TOKENS = SEQ * TOK


def top2gating(logits, noise):
    gates = jax.nn.softmax(logits.astype(jnp.float32), axis=1)
    num_tokens, num_experts = gates.shape
    capacity = 2 * num_tokens // num_experts
    indices1 = jnp.argmax(gates, axis=1)
    mask1 = jax.nn.one_hot(indices1, num_experts, dtype=jnp.int32)
    logits_w_noise = logits + noise
    logits_except1 = jnp.where(mask1 > 0, -jnp.inf, logits_w_noise)
    indices2 = jnp.argmax(logits_except1, axis=1)
    mask2 = jax.nn.one_hot(indices2, num_experts, dtype=jnp.int32)
    locations1 = jnp.cumsum(mask1, axis=0) - 1
    locations2 = jnp.cumsum(mask2, axis=0) - 1
    locations2 = locations2 + jnp.sum(mask1, axis=0, keepdims=True)
    me = jnp.mean(gates, axis=0)
    ce = jnp.mean(mask1.astype(jnp.float32), axis=0)
    l_aux = jnp.mean(me * ce)
    mask1 = mask1 * (locations1 < capacity).astype(jnp.int32)
    mask2 = mask2 * (locations2 < capacity).astype(jnp.int32)
    locations1_s = jnp.sum(locations1 * mask1, axis=1)
    locations2_s = jnp.sum(locations2 * mask2, axis=1)
    gates1_s = jnp.sum(gates * mask1, axis=1)
    gates2_s = jnp.sum(gates * mask2, axis=1)
    denom_s = jnp.clip(gates1_s + gates2_s, jnp.finfo(jnp.float32).eps, None)
    gates1_s = gates1_s / denom_s
    gates2_s = gates2_s / denom_s
    gates1 = gates1_s[:, None] * mask1.astype(jnp.float32)
    gates2 = gates2_s[:, None] * mask2.astype(jnp.float32)
    locations1_sc = jax.nn.one_hot(locations1_s, capacity, dtype=jnp.float32)
    locations2_sc = jax.nn.one_hot(locations2_s, capacity, dtype=jnp.float32)
    combine1_sec = gates1[:, :, None] * locations1_sc[:, None, :]
    combine2_sec = gates2[:, :, None] * locations2_sc[:, None, :]
    combine_weights = combine1_sec + combine2_sec
    dispatch_mask = combine_weights != 0
    return l_aux, combine_weights, dispatch_mask


def setup_inputs(seed: int = 0) -> dict:
    key = jax.random.key(seed)
    k1, k2, k3, k4 = jax.random.split(key, 4)
    x = jax.random.normal(k1, (SEQ, TOK, D_MODEL), dtype=jnp.float32)
    wg = jax.random.normal(k2, (E, D_MODEL), dtype=jnp.float32) * 0.02
    We = jax.random.normal(k3, (E, D_OUT, D_MODEL), dtype=jnp.float32) * 0.02
    be = jnp.zeros((E, D_OUT), dtype=jnp.float32)
    gnoise = jax.random.gumbel(k4, (NUM_TOKENS, E), dtype=jnp.float32)
    return {"x": x, "wg": wg, "We": We, "be": be, "gnoise": gnoise}


def reference(x, wg, We, be, gnoise):
    # world_size = 1 -> _AllToAll is identity; num_local_experts = E
    d_model = x.shape[2]
    reshaped_input = x.reshape(-1, d_model)
    logits = reshaped_input @ wg.T
    l_aux, combine_weights, dispatch_mask = top2gating(logits, gnoise)
    dispatched_input = jnp.einsum('sec,sm->ecm', dispatch_mask.astype(jnp.float32), reshaped_input)
    # experts: per-expert Linear y = x @ W.T + b
    expert_output = jnp.einsum('ecm,eom->eco', dispatched_input, We) + be[:, None, :]
    combined_output = jnp.einsum('sec,ecm->sm', combine_weights, expert_output)
    return combined_output.reshape(x.shape)

if __name__ == "__main__":
    import jax
    _d = setup_inputs()
    print(jax.jit(kernel)(*tuple(_d.values())))

</pallas_src>

<mosaic_0001>
#map = affine_map<(d0, d1) -> (0)>
#map1 = affine_map<(d0, d1) -> (0, 0)>
module attributes {stable_mosaic.version = 14 : i64} {
  func.func @_dispatch_body(%arg0: i32, %arg1: i32, %arg2: memref<2048xi32, #tpu.memory_space<hbm>>, %arg3: memref<2048xi32, #tpu.memory_space<hbm>>, %arg4: memref<2048xf32, #tpu.memory_space<hbm>>, %arg5: memref<2048xf32, #tpu.memory_space<hbm>>, %arg6: memref<2048x512xi32, #tpu.memory_space<hbm>>, %arg7: memref<4608x512xi32, #tpu.memory_space<hbm>>, %arg8: memref<4608xf32, #tpu.memory_space<hbm>>, %arg9: memref<2048xi32, #tpu.memory_space<vmem>>, %arg10: memref<2048xi32, #tpu.memory_space<vmem>>, %arg11: memref<2048xf32, #tpu.memory_space<vmem>>, %arg12: memref<2048xf32, #tpu.memory_space<vmem>>, %arg13: memref<4112xi32, #tpu.memory_space<vmem>>, %arg14: memref<4608xf32, #tpu.memory_space<vmem>>, %arg15: memref<64x512xi32, #tpu.memory_space<vmem>>, %arg16: memref<64x512xi32, #tpu.memory_space<vmem>>, %arg17: memref<!tpu.dma_semaphore, #tpu.memory_space<semaphore_mem>>, %arg18: memref<!tpu.dma_semaphore, #tpu.memory_space<semaphore_mem>>) attributes {dimension_semantics = [#tpu.dimension_semantics<core_parallel>, #tpu.dimension_semantics<subcore_parallel>], iteration_bounds = array<i64: 2, 16>, scalar_prefetch = 0 : i64, scratch_operands = 10 : i64, tpu.core_type = #tpu.core_type<sc_vector_subcore>, window_params = [{transform_indices = #map}, {transform_indices = #map}, {transform_indices = #map}, {transform_indices = #map}, {transform_indices = #map1}, {transform_indices = #map1}, {transform_indices = #map}]} {
    %mul3A = arith.constant 2 : i32
    %mul3A_0 = arith.muli %arg1, %mul3A : i32
    %add3A = arith.addi %mul3A_0, %arg0 : i32
    %mul3A_1 = arith.constant 128 : i32
    %mul3A_2 = arith.muli %add3A, %mul3A_1 : i32
    tpu.enqueue_dma source(%arg2 : memref<2048xi32, #tpu.memory_space<hbm>>) target(%arg9 : memref<2048xi32, #tpu.memory_space<vmem>>) target_semaphore(%arg17 : memref<!tpu.dma_semaphore, #tpu.memory_space<semaphore_mem>>)
    tpu.enqueue_dma source(%arg3 : memref<2048xi32, #tpu.memory_space<hbm>>) target(%arg10 : memref<2048xi32, #tpu.memory_space<vmem>>) target_semaphore(%arg18 : memref<!tpu.dma_semaphore, #tpu.memory_space<semaphore_mem>>)
    tpu.enqueue_dma source(%arg4 : memref<2048xf32, #tpu.memory_space<hbm>>) target(%arg11 : memref<2048xf32, #tpu.memory_space<vmem>>) target_semaphore(%arg17 : memref<!tpu.dma_semaphore, #tpu.memory_space<semaphore_mem>>)
    tpu.enqueue_dma source(%arg5 : memref<2048xf32, #tpu.memory_space<hbm>>) target(%arg12 : memref<2048xf32, #tpu.memory_space<vmem>>) target_semaphore(%arg18 : memref<!tpu.dma_semaphore, #tpu.memory_space<semaphore_mem>>)
    tpu.wait_dma2 semaphore(%arg17 : memref<!tpu.dma_semaphore, #tpu.memory_space<semaphore_mem>>) src(%arg2 : memref<2048xi32, #tpu.memory_space<hbm>>) dst(%arg9 : memref<2048xi32, #tpu.memory_space<vmem>>)
    tpu.wait_dma2 semaphore(%arg18 : memref<!tpu.dma_semaphore, #tpu.memory_space<semaphore_mem>>) src(%arg3 : memref<2048xi32, #tpu.memory_space<hbm>>) dst(%arg10 : memref<2048xi32, #tpu.memory_space<vmem>>)
    tpu.wait_dma2 semaphore(%arg17 : memref<!tpu.dma_semaphore, #tpu.memory_space<semaphore_mem>>) src(%arg4 : memref<2048xf32, #tpu.memory_space<hbm>>) dst(%arg11 : memref<2048xf32, #tpu.memory_space<vmem>>)
    tpu.wait_dma2 semaphore(%arg18 : memref<!tpu.dma_semaphore, #tpu.memory_space<semaphore_mem>>) src(%arg5 : memref<2048xf32, #tpu.memory_space<hbm>>) dst(%arg12 : memref<2048xf32, #tpu.memory_space<vmem>>)
    %broadcast_in_dim3A = arith.constant 0 : i32
    %broadcast_in_dim3A_3 = vector.broadcast %broadcast_in_dim3A : i32 to vector<16xi32>
    %broadcast_in_dim3A_4 = arith.constant 0.000000e+00 : f32
    %broadcast_in_dim3A_5 = vector.broadcast %broadcast_in_dim3A_4 : f32 to vector<16xf32>
    %scan3A = arith.constant 0 : i32
    %scan3A_6 = arith.constant 0 : i32
    %scan3A_7 = arith.constant 8 : i32
    %scan3A_8 = arith.addi %scan3A_6, %scan3A_7 : i32
    %scan3A_9 = arith.constant 1 : i32
    scf.for %scan3A_63 = %scan3A_6 to %scan3A_8 step %scan3A_9  : i32 {
      %mul3A_64 = arith.constant 16 : i32
      %mul3A_65 = arith.muli %scan3A_63, %mul3A_64 : i32
      %add3A_66 = arith.addi %mul3A_2, %mul3A_65 : i32
      %swap3A = arith.index_cast %add3A_66 : i32 to index
      %swap3A_67 = tpu.vector_load %arg13[%swap3A] {strides = array<i32>} : memref<4112xi32, #tpu.memory_space<vmem>>, vector<16xi32>,
      tpu.vector_store %arg13[%swap3A], %broadcast_in_dim3A_3 {strides = array<i32>} : memref<4112xi32, #tpu.memory_space<vmem>>, vector<16xi32>,
      %mul3A_68 = arith.constant 16 : i32
      %mul3A_69 = arith.muli %scan3A_63, %mul3A_68 : i32
      %add3A_70 = arith.addi %mul3A_2, %mul3A_69 : i32
      %swap3A_71 = arith.index_cast %add3A_70 : i32 to index
      %swap3A_72 = tpu.vector_load %arg14[%swap3A_71] {strides = array<i32>} : memref<4608xf32, #tpu.memory_space<vmem>>, vector<16xf32>,
      tpu.vector_store %arg14[%swap3A_71], %broadcast_in_dim3A_5 {strides = array<i32>} : memref<4608xf32, #tpu.memory_space<vmem>>, vector<16xf32>,
    }
    %scan3A_10 = arith.constant 8 : i32
    %iota3A = tpu.iota {dimensions = array<i32: 0>} : vector<16xi32>
    %scan3A_11 = arith.constant 0 : i32
    %scan3A_12 = arith.constant 0 : i32
    %scan3A_13 = arith.constant 128 : i32
    %scan3A_14 = arith.addi %scan3A_12, %scan3A_13 : i32
    %scan3A_15 = arith.constant 1 : i32
    scf.for %scan3A_63 = %scan3A_12 to %scan3A_14 step %scan3A_15  : i32 {
      %mul3A_64 = arith.constant 16 : i32
      %mul3A_65 = arith.muli %scan3A_63, %mul3A_64 : i32
      %mul3A_66 = arith.constant 16 : i32
      %mul3A_67 = arith.muli %scan3A_63, %mul3A_66 : i32
      %add3A_68 = vector.broadcast %mul3A_67 : i32 to vector<16xi32>
      %add3A_69 = arith.addi %iota3A, %add3A_68 : vector<16xi32>
      %get3A = arith.index_cast %mul3A_65 : i32 to index
      %get3A_70 = tpu.vector_load %arg9[%get3A] {strides = array<i32>} : memref<2048xi32, #tpu.memory_space<vmem>>, vector<16xi32>,
      tpu.vector_store_idx %arg13[%get3A_70], %add3A_69 : memref<4112xi32, #tpu.memory_space<vmem>>[vector<16xi32>], vector<16xi32>,
      %get3A_71 = arith.index_cast %mul3A_65 : i32 to index
      %get3A_72 = tpu.vector_load %arg10[%get3A_71] {strides = array<i32>} : memref<2048xi32, #tpu.memory_space<vmem>>, vector<16xi32>,
      tpu.vector_store_idx %arg13[%get3A_72], %add3A_69 : memref<4112xi32, #tpu.memory_space<vmem>>[vector<16xi32>], vector<16xi32>,
    }
    %scan3A_16 = arith.constant 128 : i32
    %add3A_17 = arith.constant 0 : i32
    %add3A_18 = arith.addi %mul3A_2, %add3A_17 : i32
    %dma_start3A = tpu.memref_slice %arg13[%add3A_18] : memref<4112xi32, #tpu.memory_space<vmem>> -> memref<64xi32, #tpu.memory_space<vmem>>
    %dma_start3A_19 = arith.constant 0 : i32
    %dma_start3A_20 = arith.constant 0 : i32
    %dma_start3A_21 = tpu.memref_slice %arg6[%dma_start3A_19, %dma_start3A_20] : memref<2048x512xi32, #tpu.memory_space<hbm>> -> memref<2048x512xi32, #tpu.memory_space<hbm>>
    tpu.enqueue_indirect_dma source(%dma_start3A_21 : memref<2048x512xi32, #tpu.memory_space<hbm>>) target(%arg15 : memref<64x512xi32, #tpu.memory_space<vmem>>) offsets(%dma_start3A : memref<64xi32, #tpu.memory_space<vmem>>) semaphore(%arg17 : memref<!tpu.dma_semaphore, #tpu.memory_space<semaphore_mem>>)
    %add3A_22 = arith.constant 64 : i32
    %add3A_23 = arith.addi %mul3A_2, %add3A_22 : i32
    %dma_start3A_24 = tpu.memref_slice %arg13[%add3A_23] : memref<4112xi32, #tpu.memory_space<vmem>> -> memref<64xi32, #tpu.memory_space<vmem>>
    %dma_start3A_25 = arith.constant 0 : i32
    %dma_start3A_26 = arith.constant 0 : i32
    %dma_start3A_27 = tpu.memref_slice %arg6[%dma_start3A_25, %dma_start3A_26] : memref<2048x512xi32, #tpu.memory_space<hbm>> -> memref<2048x512xi32, #tpu.memory_space<hbm>>
    tpu.enqueue_indirect_dma source(%dma_start3A_27 : memref<2048x512xi32, #tpu.memory_space<hbm>>) target(%arg16 : memref<64x512xi32, #tpu.memory_space<vmem>>) offsets(%dma_start3A_24 : memref<64xi32, #tpu.memory_space<vmem>>) semaphore(%arg18 : memref<!tpu.dma_semaphore, #tpu.memory_space<semaphore_mem>>)
    %scan3A_28 = arith.constant 0 : i32
    %scan3A_29 = arith.constant 0 : i32
    %scan3A_30 = arith.constant 128 : i32
    %scan3A_31 = arith.addi %scan3A_29, %scan3A_30 : i32
    %scan3A_32 = arith.constant 1 : i32
    scf.for %scan3A_63 = %scan3A_29 to %scan3A_31 step %scan3A_32  : i32 {
      %mul3A_64 = arith.constant 16 : i32
      %mul3A_65 = arith.muli %scan3A_63, %mul3A_64 : i32
      %get3A = arith.index_cast %mul3A_65 : i32 to index
      %get3A_66 = tpu.vector_load %arg9[%get3A] {strides = array<i32>} : memref<2048xi32, #tpu.memory_space<vmem>>, vector<16xi32>,
      %get3A_67 = arith.index_cast %mul3A_65 : i32 to index
      %get3A_68 = tpu.vector_load %arg11[%get3A_67] {strides = array<i32>} : memref<2048xf32, #tpu.memory_space<vmem>>, vector<16xf32>,
      tpu.vector_store_idx %arg14[%get3A_66], %get3A_68 : memref<4608xf32, #tpu.memory_space<vmem>>[vector<16xi32>], vector<16xf32>,
      %get3A_69 = arith.index_cast %mul3A_65 : i32 to index
      %get3A_70 = tpu.vector_load %arg10[%get3A_69] {strides = array<i32>} : memref<2048xi32, #tpu.memory_space<vmem>>, vector<16xi32>,
      %get3A_71 = arith.index_cast %mul3A_65 : i32 to index
      %get3A_72 = tpu.vector_load %arg12[%get3A_71] {strides = array<i32>} : memref<2048xf32, #tpu.memory_space<vmem>>, vector<16xf32>,
      tpu.vector_store_idx %arg14[%get3A_70], %get3A_72 : memref<4608xf32, #tpu.memory_space<vmem>>[vector<16xi32>], vector<16xf32>,
    }
    %scan3A_33 = arith.constant 128 : i32
    %dma_wait3A = tpu.memref_slice %arg13[%add3A_18] : memref<4112xi32, #tpu.memory_space<vmem>> -> memref<64xi32, #tpu.memory_space<vmem>>
    %dma_wait3A_34 = arith.constant 0 : i32
    %dma_wait3A_35 = arith.constant 0 : i32
    %dma_wait3A_36 = tpu.memref_slice %arg6[%dma_wait3A_34, %dma_wait3A_35] : memref<2048x512xi32, #tpu.memory_space<hbm>> -> memref<2048x512xi32, #tpu.memory_space<hbm>>
    tpu.wait_indirect_dma semaphore(%arg17 : memref<!tpu.dma_semaphore, #tpu.memory_space<semaphore_mem>>) src(%dma_wait3A_36 : memref<2048x512xi32, #tpu.memory_space<hbm>>) dst(%arg15 : memref<64x512xi32, #tpu.memory_space<vmem>>)
    %add3A_37 = arith.constant 0 : i32
    %add3A_38 = arith.addi %mul3A_2, %add3A_37 : i32
    %dma_start3A_39 = arith.constant 0 : i32
    %dma_start3A_40 = tpu.memref_slice %arg7[%add3A_38, %dma_start3A_39] : memref<4608x512xi32, #tpu.memory_space<hbm>> -> memref<64x512xi32, #tpu.memory_space<hbm>>
    %dma_start3A_41 = arith.constant 0 : i32
    %dma_start3A_42 = tpu.memref_slice %arg7[%add3A_38, %dma_start3A_41] : memref<4608x512xi32, #tpu.memory_space<hbm>> -> memref<64x512xi32, #tpu.memory_space<hbm>>
    tpu.enqueue_dma source(%arg15 : memref<64x512xi32, #tpu.memory_space<vmem>>) target(%dma_start3A_42 : memref<64x512xi32, #tpu.memory_space<hbm>>) target_semaphore(%arg17 : memref<!tpu.dma_semaphore, #tpu.memory_space<semaphore_mem>>)
    %dma_wait3A_43 = tpu.memref_slice %arg13[%add3A_23] : memref<4112xi32, #tpu.memory_space<vmem>> -> memref<64xi32, #tpu.memory_space<vmem>>
    %dma_wait3A_44 = arith.constant 0 : i32
    %dma_wait3A_45 = arith.constant 0 : i32
    %dma_wait3A_46 = tpu.memref_slice %arg6[%dma_wait3A_44, %dma_wait3A_45] : memref<2048x512xi32, #tpu.memory_space<hbm>> -> memref<2048x512xi32, #tpu.memory_space<hbm>>
    tpu.wait_indirect_dma semaphore(%arg18 : memref<!tpu.dma_semaphore, #tpu.memory_space<semaphore_mem>>) src(%dma_wait3A_46 : memref<2048x512xi32, #tpu.memory_space<hbm>>) dst(%arg16 : memref<64x512xi32, #tpu.memory_space<vmem>>)
    %add3A_47 = arith.constant 64 : i32
    %add3A_48 = arith.addi %mul3A_2, %add3A_47 : i32
    %dma_start3A_49 = arith.constant 0 : i32
    %dma_start3A_50 = tpu.memref_slice %arg7[%add3A_48, %dma_start3A_49] : memref<4608x512xi32, #tpu.memory_space<hbm>> -> memref<64x512xi32, #tpu.memory_space<hbm>>
    %dma_start3A_51 = arith.constant 0 : i32
    %dma_start3A_52 = tpu.memref_slice %arg7[%add3A_48, %dma_start3A_51] : memref<4608x512xi32, #tpu.memory_space<hbm>> -> memref<64x512xi32, #tpu.memory_space<hbm>>
    tpu.enqueue_dma source(%arg16 : memref<64x512xi32, #tpu.memory_space<vmem>>) target(%dma_start3A_52 : memref<64x512xi32, #tpu.memory_space<hbm>>) target_semaphore(%arg18 : memref<!tpu.dma_semaphore, #tpu.memory_space<semaphore_mem>>)
    "tpu.region"() ({
      %run_scoped3A = tpu.sem_alloc : memref<!tpu.dma_semaphore, #tpu.memory_space<semaphore_mem>>
      %dma_start3A_63 = tpu.memref_slice %arg14[%mul3A_2] : memref<4608xf32, #tpu.memory_space<vmem>> -> memref<128xf32, #tpu.memory_space<vmem>>
      %dma_start3A_64 = tpu.memref_slice %arg8[%mul3A_2] : memref<4608xf32, #tpu.memory_space<hbm>> -> memref<128xf32, #tpu.memory_space<hbm>>
      %dma_start3A_65 = tpu.memref_slice %arg8[%mul3A_2] : memref<4608xf32, #tpu.memory_space<hbm>> -> memref<128xf32, #tpu.memory_space<hbm>>
      %dma_start3A_66 = tpu.memref_slice %arg14[%mul3A_2] : memref<4608xf32, #tpu.memory_space<vmem>> -> memref<128xf32, #tpu.memory_space<vmem>>
      tpu.enqueue_dma source(%dma_start3A_66 : memref<128xf32, #tpu.memory_space<vmem>>) target(%dma_start3A_65 : memref<128xf32, #tpu.memory_space<hbm>>) target_semaphore(%run_scoped3A : memref<!tpu.dma_semaphore, #tpu.memory_space<semaphore_mem>>)
      %dma_wait3A_67 = tpu.memref_slice %arg14[%mul3A_2] : memref<4608xf32, #tpu.memory_space<vmem>> -> memref<128xf32, #tpu.memory_space<vmem>>
      %dma_wait3A_68 = tpu.memref_slice %arg8[%mul3A_2] : memref<4608xf32, #tpu.memory_space<hbm>> -> memref<128xf32, #tpu.memory_space<hbm>>
      %dma_wait3A_69 = tpu.memref_slice %arg8[%mul3A_2] : memref<4608xf32, #tpu.memory_space<hbm>> -> memref<128xf32, #tpu.memory_space<hbm>>
      %dma_wait3A_70 = tpu.memref_slice %arg14[%mul3A_2] : memref<4608xf32, #tpu.memory_space<vmem>> -> memref<128xf32, #tpu.memory_space<vmem>>
      tpu.wait_dma2 semaphore(%run_scoped3A : memref<!tpu.dma_semaphore, #tpu.memory_space<semaphore_mem>>) src(%dma_wait3A_70 : memref<128xf32, #tpu.memory_space<vmem>>) dst(%dma_wait3A_69 : memref<128xf32, #tpu.memory_space<hbm>>)
      tpu.yield
    }) : () -> ()
    %eq3A = arith.constant 0 : i32
    %eq3A_53 = arith.cmpi eq, %add3A, %eq3A : i32
    %convert_element_type3A = arith.extui %eq3A_53 : i1 to i32
    %cond3A = arith.constant 0 : i32
    %cond3A_54 = arith.cmpi ne, %convert_element_type3A, %cond3A : i32
    scf.if %cond3A_54 {
      %scan3A_63 = arith.constant 0 : i32
      %scan3A_64 = arith.constant 0 : i32
      %scan3A_65 = arith.constant 32 : i32
      %scan3A_66 = arith.addi %scan3A_64, %scan3A_65 : i32
      %scan3A_67 = arith.constant 1 : i32
      scf.for %scan3A_69 = %scan3A_64 to %scan3A_66 step %scan3A_67  : i32 {
        %mul3A_70 = arith.constant 16 : i32
        %mul3A_71 = arith.muli %scan3A_69, %mul3A_70 : i32
        %add3A_72 = arith.constant 4096 : i32
        %add3A_73 = arith.addi %add3A_72, %mul3A_71 : i32
        %swap3A = arith.index_cast %add3A_73 : i32 to index
        %swap3A_74 = tpu.vector_load %arg14[%swap3A] {strides = array<i32>} : memref<4608xf32, #tpu.memory_space<vmem>>, vector<16xf32>,
        tpu.vector_store %arg14[%swap3A], %broadcast_in_dim3A_5 {strides = array<i32>} : memref<4608xf32, #tpu.memory_space<vmem>>, vector<16xf32>,
      }
      %scan3A_68 = arith.constant 32 : i32
      "tpu.region"() ({
        %run_scoped3A = tpu.sem_alloc : memref<!tpu.dma_semaphore, #tpu.memory_space<semaphore_mem>>
        %dma_start3A_69 = arith.constant 4096 : i32
        %dma_start3A_70 = tpu.memref_slice %arg14[%dma_start3A_69] : memref<4608xf32, #tpu.memory_space<vmem>> -> memref<512xf32, #tpu.memory_space<vmem>>
        %dma_start3A_71 = arith.constant 4096 : i32
        %dma_start3A_72 = tpu.memref_slice %arg8[%dma_start3A_71] : memref<4608xf32, #tpu.memory_space<hbm>> -> memref<512xf32, #tpu.memory_space<hbm>>
        %dma_start3A_73 = arith.constant 4096 : i32
        %dma_start3A_74 = tpu.memref_slice %arg8[%dma_start3A_73] : memref<4608xf32, #tpu.memory_space<hbm>> -> memref<512xf32, #tpu.memory_space<hbm>>
        %dma_start3A_75 = arith.constant 4096 : i32
        %dma_start3A_76 = tpu.memref_slice %arg14[%dma_start3A_75] : memref<4608xf32, #tpu.memory_space<vmem>> -> memref<512xf32, #tpu.memory_space<vmem>>
        tpu.enqueue_dma source(%dma_start3A_76 : memref<512xf32, #tpu.memory_space<vmem>>) target(%dma_start3A_74 : memref<512xf32, #tpu.memory_space<hbm>>) target_semaphore(%run_scoped3A : memref<!tpu.dma_semaphore, #tpu.memory_space<semaphore_mem>>)
        %dma_wait3A_77 = arith.constant 4096 : i32
        %dma_wait3A_78 = tpu.memref_slice %arg14[%dma_wait3A_77] : memref<4608xf32, #tpu.memory_space<vmem>> -> memref<512xf32, #tpu.memory_space<vmem>>
        %dma_wait3A_79 = arith.constant 4096 : i32
        %dma_wait3A_80 = tpu.memref_slice %arg8[%dma_wait3A_79] : memref<4608xf32, #tpu.memory_space<hbm>> -> memref<512xf32, #tpu.memory_space<hbm>>
        %dma_wait3A_81 = arith.constant 4096 : i32
        %dma_wait3A_82 = tpu.memref_slice %arg8[%dma_wait3A_81] : memref<4608xf32, #tpu.memory_space<hbm>> -> memref<512xf32, #tpu.memory_space<hbm>>
        %dma_wait3A_83 = arith.constant 4096 : i32
        %dma_wait3A_84 = tpu.memref_slice %arg14[%dma_wait3A_83] : memref<4608xf32, #tpu.memory_space<vmem>> -> memref<512xf32, #tpu.memory_space<vmem>>
        tpu.wait_dma2 semaphore(%run_scoped3A : memref<!tpu.dma_semaphore, #tpu.memory_space<semaphore_mem>>) src(%dma_wait3A_84 : memref<512xf32, #tpu.memory_space<vmem>>) dst(%dma_wait3A_82 : memref<512xf32, #tpu.memory_space<hbm>>)
        tpu.yield
      }) : () -> ()
    } else {
    }
    %dma_wait3A_55 = arith.constant 0 : i32
    %dma_wait3A_56 = tpu.memref_slice %arg7[%add3A_38, %dma_wait3A_55] : memref<4608x512xi32, #tpu.memory_space<hbm>> -> memref<64x512xi32, #tpu.memory_space<hbm>>
    %dma_wait3A_57 = arith.constant 0 : i32
    %dma_wait3A_58 = tpu.memref_slice %arg7[%add3A_38, %dma_wait3A_57] : memref<4608x512xi32, #tpu.memory_space<hbm>> -> memref<64x512xi32, #tpu.memory_space<hbm>>
    tpu.wait_dma2 semaphore(%arg17 : memref<!tpu.dma_semaphore, #tpu.memory_space<semaphore_mem>>) src(%arg15 : memref<64x512xi32, #tpu.memory_space<vmem>>) dst(%dma_wait3A_58 : memref<64x512xi32, #tpu.memory_space<hbm>>)
    %dma_wait3A_59 = arith.constant 0 : i32
    %dma_wait3A_60 = tpu.memref_slice %arg7[%add3A_48, %dma_wait3A_59] : memref<4608x512xi32, #tpu.memory_space<hbm>> -> memref<64x512xi32, #tpu.memory_space<hbm>>
    %dma_wait3A_61 = arith.constant 0 : i32
    %dma_wait3A_62 = tpu.memref_slice %arg7[%add3A_48, %dma_wait3A_61] : memref<4608x512xi32, #tpu.memory_space<hbm>> -> memref<64x512xi32, #tpu.memory_space<hbm>>
    tpu.wait_dma2 semaphore(%arg18 : memref<!tpu.dma_semaphore, #tpu.memory_space<semaphore_mem>>) src(%arg16 : memref<64x512xi32, #tpu.memory_space<vmem>>) dst(%dma_wait3A_62 : memref<64x512xi32, #tpu.memory_space<hbm>>)
    return
  }
}

#map = affine_map<(d0, d1) -> (0)>
#map1 = affine_map<(d0, d1) -> (0, 0)>
module attributes {stable_mosaic.version = 14 : i64} {
  func.func @_combine_body(%arg0: i32, %arg1: i32, %arg2: memref<2048xi32, #tpu.memory_space<hbm>>, %arg3: memref<2048xi32, #tpu.memory_space<hbm>>, %arg4: memref<4608x512xi32, #tpu.memory_space<hbm>>, %arg5: memref<2048x1024xf32, #tpu.memory_space<hbm>>, %arg6: memref<64xi32, #tpu.memory_space<vmem>>, %arg7: memref<64xi32, #tpu.memory_space<vmem>>, %arg8: memref<16x512xi32, #tpu.memory_space<vmem>>, %arg9: memref<16x512xi32, #tpu.memory_space<vmem>>, %arg10: memref<16x512xi32, #tpu.memory_space<vmem>>, %arg11: memref<16x512xi32, #tpu.memory_space<vmem>>, %arg12: memref<16x1024xf32, #tpu.memory_space<vmem>>, %arg13: memref<16x1024xf32, #tpu.memory_space<vmem>>, %arg14: memref<!tpu.dma_semaphore, #tpu.memory_space<semaphore_mem>>, %arg15: memref<!tpu.dma_semaphore, #tpu.memory_space<semaphore_mem>>, %arg16: memref<!tpu.dma_semaphore, #tpu.memory_space<semaphore_mem>>, %arg17: memref<!tpu.dma_semaphore, #tpu.memory_space<semaphore_mem>>, %arg18: memref<!tpu.dma_semaphore, #tpu.memory_space<semaphore_mem>>, %arg19: memref<!tpu.dma_semaphore, #tpu.memory_space<semaphore_mem>>) attributes {dimension_semantics = [#tpu.dimension_semantics<core_parallel>, #tpu.dimension_semantics<subcore_parallel>], iteration_bounds = array<i64: 2, 16>, scalar_prefetch = 0 : i64, scratch_operands = 14 : i64, tpu.core_type = #tpu.core_type<sc_vector_subcore>, window_params = [{transform_indices = #map}, {transform_indices = #map}, {transform_indices = #map1}, {transform_indices = #map1}]} {
    %mul3A = arith.constant 2 : i32
    %mul3A_0 = arith.muli %arg1, %mul3A : i32
    %add3A = arith.addi %mul3A_0, %arg0 : i32
    %mul3A_1 = arith.constant 64 : i32
    %mul3A_2 = arith.muli %add3A, %mul3A_1 : i32
    "tpu.region"() ({
      %run_scoped3A = tpu.sem_alloc : memref<!tpu.dma_semaphore, #tpu.memory_space<semaphore_mem>>
      %dma_start3A_144 = tpu.memref_slice %arg2[%mul3A_2] : memref<2048xi32, #tpu.memory_space<hbm>> -> memref<64xi32, #tpu.memory_space<hbm>>
      %dma_start3A_145 = tpu.memref_slice %arg2[%mul3A_2] : memref<2048xi32, #tpu.memory_space<hbm>> -> memref<64xi32, #tpu.memory_space<hbm>>
      tpu.enqueue_dma source(%dma_start3A_145 : memref<64xi32, #tpu.memory_space<hbm>>) target(%arg6 : memref<64xi32, #tpu.memory_space<vmem>>) target_semaphore(%run_scoped3A : memref<!tpu.dma_semaphore, #tpu.memory_space<semaphore_mem>>)
      %dma_wait3A_146 = tpu.memref_slice %arg2[%mul3A_2] : memref<2048xi32, #tpu.memory_space<hbm>> -> memref<64xi32, #tpu.memory_space<hbm>>
      %dma_wait3A_147 = tpu.memref_slice %arg2[%mul3A_2] : memref<2048xi32, #tpu.memory_space<hbm>> -> memref<64xi32, #tpu.memory_space<hbm>>
      tpu.wait_dma2 semaphore(%run_scoped3A : memref<!tpu.dma_semaphore, #tpu.memory_space<semaphore_mem>>) src(%dma_wait3A_147 : memref<64xi32, #tpu.memory_space<hbm>>) dst(%arg6 : memref<64xi32, #tpu.memory_space<vmem>>)
      tpu.yield
    }) : () -> ()
    "tpu.region"() ({
      %run_scoped3A = tpu.sem_alloc : memref<!tpu.dma_semaphore, #tpu.memory_space<semaphore_mem>>
      %dma_start3A_144 = tpu.memref_slice %arg3[%mul3A_2] : memref<2048xi32, #tpu.memory_space<hbm>> -> memref<64xi32, #tpu.memory_space<hbm>>
      %dma_start3A_145 = tpu.memref_slice %arg3[%mul3A_2] : memref<2048xi32, #tpu.memory_space<hbm>> -> memref<64xi32, #tpu.memory_space<hbm>>
      tpu.enqueue_dma source(%dma_start3A_145 : memref<64xi32, #tpu.memory_space<hbm>>) target(%arg7 : memref<64xi32, #tpu.memory_space<vmem>>) target_semaphore(%run_scoped3A : memref<!tpu.dma_semaphore, #tpu.memory_space<semaphore_mem>>)
      %dma_wait3A_146 = tpu.memref_slice %arg3[%mul3A_2] : memref<2048xi32, #tpu.memory_space<hbm>> -> memref<64xi32, #tpu.memory_space<hbm>>
      %dma_wait3A_147 = tpu.memref_slice %arg3[%mul3A_2] : memref<2048xi32, #tpu.memory_space<hbm>> -> memref<64xi32, #tpu.memory_space<hbm>>
      tpu.wait_dma2 semaphore(%run_scoped3A : memref<!tpu.dma_semaphore, #tpu.memory_space<semaphore_mem>>) src(%dma_wait3A_147 : memref<64xi32, #tpu.memory_space<hbm>>) dst(%arg7 : memref<64xi32, #tpu.memory_space<vmem>>)
      tpu.yield
    }) : () -> ()
    %dma_start3A = arith.constant 0 : i32
    %dma_start3A_3 = tpu.memref_slice %arg6[%dma_start3A] : memref<64xi32, #tpu.memory_space<vmem>> -> memref<16xi32, #tpu.memory_space<vmem>>
    %dma_start3A_4 = arith.constant 0 : i32
    %dma_start3A_5 = arith.constant 0 : i32
    %dma_start3A_6 = tpu.memref_slice %arg4[%dma_start3A_4, %dma_start3A_5] : memref<4608x512xi32, #tpu.memory_space<hbm>> -> memref<4608x512xi32, #tpu.memory_space<hbm>>
    tpu.enqueue_indirect_dma source(%dma_start3A_6 : memref<4608x512xi32, #tpu.memory_space<hbm>>) target(%arg8 : memref<16x512xi32, #tpu.memory_space<vmem>>) offsets(%dma_start3A_3 : memref<16xi32, #tpu.memory_space<vmem>>) semaphore(%arg14 : memref<!tpu.dma_semaphore, #tpu.memory_space<semaphore_mem>>)
    %dma_start3A_7 = arith.constant 0 : i32
    %dma_start3A_8 = tpu.memref_slice %arg7[%dma_start3A_7] : memref<64xi32, #tpu.memory_space<vmem>> -> memref<16xi32, #tpu.memory_space<vmem>>
    %dma_start3A_9 = arith.constant 0 : i32
    %dma_start3A_10 = arith.constant 0 : i32
    %dma_start3A_11 = tpu.memref_slice %arg4[%dma_start3A_9, %dma_start3A_10] : memref<4608x512xi32, #tpu.memory_space<hbm>> -> memref<4608x512xi32, #tpu.memory_space<hbm>>
    tpu.enqueue_indirect_dma source(%dma_start3A_11 : memref<4608x512xi32, #tpu.memory_space<hbm>>) target(%arg9 : memref<16x512xi32, #tpu.memory_space<vmem>>) offsets(%dma_start3A_8 : memref<16xi32, #tpu.memory_space<vmem>>) semaphore(%arg15 : memref<!tpu.dma_semaphore, #tpu.memory_space<semaphore_mem>>)
    %dma_start3A_12 = arith.constant 16 : i32
    %dma_start3A_13 = tpu.memref_slice %arg6[%dma_start3A_12] : memref<64xi32, #tpu.memory_space<vmem>> -> memref<16xi32, #tpu.memory_space<vmem>>
    %dma_start3A_14 = arith.constant 0 : i32
    %dma_start3A_15 = arith.constant 0 : i32
    %dma_start3A_16 = tpu.memref_slice %arg4[%dma_start3A_14, %dma_start3A_15] : memref<4608x512xi32, #tpu.memory_space<hbm>> -> memref<4608x512xi32, #tpu.memory_space<hbm>>
    tpu.enqueue_indirect_dma source(%dma_start3A_16 : memref<4608x512xi32, #tpu.memory_space<hbm>>) target(%arg10 : memref<16x512xi32, #tpu.memory_space<vmem>>) offsets(%dma_start3A_13 : memref<16xi32, #tpu.memory_space<vmem>>) semaphore(%arg16 : memref<!tpu.dma_semaphore, #tpu.memory_space<semaphore_mem>>)
    %dma_start3A_17 = arith.constant 16 : i32
    %dma_start3A_18 = tpu.memref_slice %arg7[%dma_start3A_17] : memref<64xi32, #tpu.memory_space<vmem>> -> memref<16xi32, #tpu.memory_space<vmem>>
    %dma_start3A_19 = arith.constant 0 : i32
    %dma_start3A_20 = arith.constant 0 : i32
    %dma_start3A_21 = tpu.memref_slice %arg4[%dma_start3A_19, %dma_start3A_20] : memref<4608x512xi32, #tpu.memory_space<hbm>> -> memref<4608x512xi32, #tpu.memory_space<hbm>>
    tpu.enqueue_indirect_dma source(%dma_start3A_21 : memref<4608x512xi32, #tpu.memory_space<hbm>>) target(%arg11 : memref<16x512xi32, #tpu.memory_space<vmem>>) offsets(%dma_start3A_18 : memref<16xi32, #tpu.memory_space<vmem>>) semaphore(%arg17 : memref<!tpu.dma_semaphore, #tpu.memory_space<semaphore_mem>>)
    %dma_wait3A = arith.constant 0 : i32
    %dma_wait3A_22 = tpu.memref_slice %arg6[%dma_wait3A] : memref<64xi32, #tpu.memory_space<vmem>> -> memref<16xi32, #tpu.memory_space<vmem>>
    %dma_wait3A_23 = arith.constant 0 : i32
    %dma_wait3A_24 = arith.constant 0 : i32
    %dma_wait3A_25 = tpu.memref_slice %arg4[%dma_wait3A_23, %dma_wait3A_24] : memref<4608x512xi32, #tpu.memory_space<hbm>> -> memref<4608x512xi32, #tpu.memory_space<hbm>>
    tpu.wait_indirect_dma semaphore(%arg14 : memref<!tpu.dma_semaphore, #tpu.memory_space<semaphore_mem>>) src(%dma_wait3A_25 : memref<4608x512xi32, #tpu.memory_space<hbm>>) dst(%arg8 : memref<16x512xi32, #tpu.memory_space<vmem>>)
    %dma_wait3A_26 = arith.constant 0 : i32
    %dma_wait3A_27 = tpu.memref_slice %arg7[%dma_wait3A_26] : memref<64xi32, #tpu.memory_space<vmem>> -> memref<16xi32, #tpu.memory_space<vmem>>
    %dma_wait3A_28 = arith.constant 0 : i32
    %dma_wait3A_29 = arith.constant 0 : i32
    %dma_wait3A_30 = tpu.memref_slice %arg4[%dma_wait3A_28, %dma_wait3A_29] : memref<4608x512xi32, #tpu.memory_space<hbm>> -> memref<4608x512xi32, #tpu.memory_space<hbm>>
    tpu.wait_indirect_dma semaphore(%arg15 : memref<!tpu.dma_semaphore, #tpu.memory_space<semaphore_mem>>) src(%dma_wait3A_30 : memref<4608x512xi32, #tpu.memory_space<hbm>>) dst(%arg9 : memref<16x512xi32, #tpu.memory_space<vmem>>)
    %scan3A = arith.constant 0 : i32
    %scan3A_31 = arith.constant 0 : i32
    %scan3A_32 = arith.constant 16 : i32
    %scan3A_33 = arith.addi %scan3A_31, %scan3A_32 : i32
    %scan3A_34 = arith.constant 1 : i32
    scf.for %scan3A_144 = %scan3A_31 to %scan3A_33 step %scan3A_34  : i32 {
      %parallel_loop3A = arith.constant 0 : i32
      %parallel_loop3A_145 = arith.constant 512 : i32
      %parallel_loop3A_146 = arith.constant 16 : i32
      scf.for %parallel_loop3A_147 = %parallel_loop3A to %parallel_loop3A_145 step %parallel_loop3A_146  : i32 {
        %parallel_loop3A_148 = arith.index_cast %scan3A_144 : i32 to index
        %parallel_loop3A_149 = arith.index_cast %parallel_loop3A_147 : i32 to index
        %parallel_loop3A_150 = tpu.vector_load %arg8[%parallel_loop3A_148, %parallel_loop3A_149] {strides = array<i32>} : memref<16x512xi32, #tpu.memory_space<vmem>>, vector<16xi32>,
        %parallel_loop3A_151 = vector.bitcast %parallel_loop3A_150 : vector<16xi32> to vector<32xbf16>
        %parallel_loop3A_152 = arith.index_cast %scan3A_144 : i32 to index
        %parallel_loop3A_153 = arith.index_cast %parallel_loop3A_147 : i32 to index
        %parallel_loop3A_154 = tpu.vector_load %arg9[%parallel_loop3A_152, %parallel_loop3A_153] {strides = array<i32>} : memref<16x512xi32, #tpu.memory_space<vmem>>, vector<16xi32>,
        %parallel_loop3A_155 = vector.bitcast %parallel_loop3A_154 : vector<16xi32> to vector<32xbf16>
        %parallel_loop3A_156 = arith.addf %parallel_loop3A_151, %parallel_loop3A_155 : vector<32xbf16>
        %parallel_loop3A_157 = tpu.unpack_subelements %parallel_loop3A_156, 0 {pack_format = #tpu.pack_format<interleaved>} : vector<32xbf16> -> vector<16xf32>
        %parallel_loop3A_158 = tpu.unpack_subelements %parallel_loop3A_156, 1 {pack_format = #tpu.pack_format<interleaved>} : vector<32xbf16> -> vector<16xf32>
        %parallel_loop3A_159 = arith.index_cast %scan3A_144 : i32 to index
        %parallel_loop3A_160 = arith.index_cast %parallel_loop3A_147 : i32 to index
        %parallel_loop3A_161 = tpu.vector_load %arg12[%parallel_loop3A_159, %parallel_loop3A_160] {strides = array<i32>} : memref<16x1024xf32, #tpu.memory_space<vmem>>, vector<16xf32>,
        tpu.vector_store %arg12[%parallel_loop3A_159, %parallel_loop3A_160], %parallel_loop3A_157 {strides = array<i32>} : memref<16x1024xf32, #tpu.memory_space<vmem>>, vector<16xf32>,
        %parallel_loop3A_162 = arith.constant 512 : i32
        %parallel_loop3A_163 = arith.addi %parallel_loop3A_162, %parallel_loop3A_147 : i32
        %parallel_loop3A_164 = arith.index_cast %scan3A_144 : i32 to index
        %parallel_loop3A_165 = arith.index_cast %parallel_loop3A_163 : i32 to index
        %parallel_loop3A_166 = tpu.vector_load %arg12[%parallel_loop3A_164, %parallel_loop3A_165] {strides = array<i32>} : memref<16x1024xf32, #tpu.memory_space<vmem>>, vector<16xf32>,
        tpu.vector_store %arg12[%parallel_loop3A_164, %parallel_loop3A_165], %parallel_loop3A_158 {strides = array<i32>} : memref<16x1024xf32, #tpu.memory_space<vmem>>, vector<16xf32>,
      } {sc.loop_unroll_factor = 8 : i64, sc.parallel_access}
    }
    %scan3A_35 = arith.constant 16 : i32
    %dma_start3A_36 = arith.constant 32 : i32
    %dma_start3A_37 = tpu.memref_slice %arg6[%dma_start3A_36] : memref<64xi32, #tpu.memory_space<vmem>> -> memref<16xi32, #tpu.memory_space<vmem>>
    %dma_start3A_38 = arith.constant 0 : i32
    %dma_start3A_39 = arith.constant 0 : i32
    %dma_start3A_40 = tpu.memref_slice %arg4[%dma_start3A_38, %dma_start3A_39] : memref<4608x512xi32, #tpu.memory_space<hbm>> -> memref<4608x512xi32, #tpu.memory_space<hbm>>
    tpu.enqueue_indirect_dma source(%dma_start3A_40 : memref<4608x512xi32, #tpu.memory_space<hbm>>) target(%arg8 : memref<16x512xi32, #tpu.memory_space<vmem>>) offsets(%dma_start3A_37 : memref<16xi32, #tpu.memory_space<vmem>>) semaphore(%arg14 : memref<!tpu.dma_semaphore, #tpu.memory_space<semaphore_mem>>)
    %dma_start3A_41 = arith.constant 32 : i32
    %dma_start3A_42 = tpu.memref_slice %arg7[%dma_start3A_41] : memref<64xi32, #tpu.memory_space<vmem>> -> memref<16xi32, #tpu.memory_space<vmem>>
    %dma_start3A_43 = arith.constant 0 : i32
    %dma_start3A_44 = arith.constant 0 : i32
    %dma_start3A_45 = tpu.memref_slice %arg4[%dma_start3A_43, %dma_start3A_44] : memref<4608x512xi32, #tpu.memory_space<hbm>> -> memref<4608x512xi32, #tpu.memory_space<hbm>>
    tpu.enqueue_indirect_dma source(%dma_start3A_45 : memref<4608x512xi32, #tpu.memory_space<hbm>>) target(%arg9 : memref<16x512xi32, #tpu.memory_space<vmem>>) offsets(%dma_start3A_42 : memref<16xi32, #tpu.memory_space<vmem>>) semaphore(%arg15 : memref<!tpu.dma_semaphore, #tpu.memory_space<semaphore_mem>>)
    %add3A_46 = arith.constant 0 : i32
    %add3A_47 = arith.addi %mul3A_2, %add3A_46 : i32
    %dma_start3A_48 = arith.constant 0 : i32
    %dma_start3A_49 = tpu.memref_slice %arg5[%add3A_47, %dma_start3A_48] : memref<2048x1024xf32, #tpu.memory_space<hbm>> -> memref<16x1024xf32, #tpu.memory_space<hbm>>
    %dma_start3A_50 = arith.constant 0 : i32
    %dma_start3A_51 = tpu.memref_slice %arg5[%add3A_47, %dma_start3A_50] : memref<2048x1024xf32, #tpu.memory_space<hbm>> -> memref<16x1024xf32, #tpu.memory_space<hbm>>
    tpu.enqueue_dma source(%arg12 : memref<16x1024xf32, #tpu.memory_space<vmem>>) target(%dma_start3A_51 : memref<16x1024xf32, #tpu.memory_space<hbm>>) target_semaphore(%arg18 : memref<!tpu.dma_semaphore, #tpu.memory_space<semaphore_mem>>)
    %dma_wait3A_52 = arith.constant 16 : i32
    %dma_wait3A_53 = tpu.memref_slice %arg6[%dma_wait3A_52] : memref<64xi32, #tpu.memory_space<vmem>> -> memref<16xi32, #tpu.memory_space<vmem>>
    %dma_wait3A_54 = arith.constant 0 : i32
    %dma_wait3A_55 = arith.constant 0 : i32
    %dma_wait3A_56 = tpu.memref_slice %arg4[%dma_wait3A_54, %dma_wait3A_55] : memref<4608x512xi32, #tpu.memory_space<hbm>> -> memref<4608x512xi32, #tpu.memory_space<hbm>>
    tpu.wait_indirect_dma semaphore(%arg16 : memref<!tpu.dma_semaphore, #tpu.memory_space<semaphore_mem>>) src(%dma_wait3A_56 : memref<4608x512xi32, #tpu.memory_space<hbm>>) dst(%arg10 : memref<16x512xi32, #tpu.memory_space<vmem>>)
    %dma_wait3A_57 = arith.constant 16 : i32
    %dma_wait3A_58 = tpu.memref_slice %arg7[%dma_wait3A_57] : memref<64xi32, #tpu.memory_space<vmem>> -> memref<16xi32, #tpu.memory_space<vmem>>
    %dma_wait3A_59 = arith.constant 0 : i32
    %dma_wait3A_60 = arith.constant 0 : i32
    %dma_wait3A_61 = tpu.memref_slice %arg4[%dma_wait3A_59, %dma_wait3A_60] : memref<4608x512xi32, #tpu.memory_space<hbm>> -> memref<4608x512xi32, #tpu.memory_space<hbm>>
    tpu.wait_indirect_dma semaphore(%arg17 : memref<!tpu.dma_semaphore, #tpu.memory_space<semaphore_mem>>) src(%dma_wait3A_61 : memref<4608x512xi32, #tpu.memory_space<hbm>>) dst(%arg11 : memref<16x512xi32, #tpu.memory_space<vmem>>)
    %scan3A_62 = arith.constant 0 : i32
    %scan3A_63 = arith.constant 0 : i32
    %scan3A_64 = arith.constant 16 : i32
    %scan3A_65 = arith.addi %scan3A_63, %scan3A_64 : i32
    %scan3A_66 = arith.constant 1 : i32
    scf.for %scan3A_144 = %scan3A_63 to %scan3A_65 step %scan3A_66  : i32 {
      %parallel_loop3A = arith.constant 0 : i32
      %parallel_loop3A_145 = arith.constant 512 : i32
      %parallel_loop3A_146 = arith.constant 16 : i32
      scf.for %parallel_loop3A_147 = %parallel_loop3A to %parallel_loop3A_145 step %parallel_loop3A_146  : i32 {
        %parallel_loop3A_148 = arith.index_cast %scan3A_144 : i32 to index
        %parallel_loop3A_149 = arith.index_cast %parallel_loop3A_147 : i32 to index
        %parallel_loop3A_150 = tpu.vector_load %arg10[%parallel_loop3A_148, %parallel_loop3A_149] {strides = array<i32>} : memref<16x512xi32, #tpu.memory_space<vmem>>, vector<16xi32>,
        %parallel_loop3A_151 = vector.bitcast %parallel_loop3A_150 : vector<16xi32> to vector<32xbf16>
        %parallel_loop3A_152 = arith.index_cast %scan3A_144 : i32 to index
        %parallel_loop3A_153 = arith.index_cast %parallel_loop3A_147 : i32 to index
        %parallel_loop3A_154 = tpu.vector_load %arg11[%parallel_loop3A_152, %parallel_loop3A_153] {strides = array<i32>} : memref<16x512xi32, #tpu.memory_space<vmem>>, vector<16xi32>,
        %parallel_loop3A_155 = vector.bitcast %parallel_loop3A_154 : vector<16xi32> to vector<32xbf16>
        %parallel_loop3A_156 = arith.addf %parallel_loop3A_151, %parallel_loop3A_155 : vector<32xbf16>
        %parallel_loop3A_157 = tpu.unpack_subelements %parallel_loop3A_156, 0 {pack_format = #tpu.pack_format<interleaved>} : vector<32xbf16> -> vector<16xf32>
        %parallel_loop3A_158 = tpu.unpack_subelements %parallel_loop3A_156, 1 {pack_format = #tpu.pack_format<interleaved>} : vector<32xbf16> -> vector<16xf32>
        %parallel_loop3A_159 = arith.index_cast %scan3A_144 : i32 to index
        %parallel_loop3A_160 = arith.index_cast %parallel_loop3A_147 : i32 to index
        %parallel_loop3A_161 = tpu.vector_load %arg13[%parallel_loop3A_159, %parallel_loop3A_160] {strides = array<i32>} : memref<16x1024xf32, #tpu.memory_space<vmem>>, vector<16xf32>,
        tpu.vector_store %arg13[%parallel_loop3A_159, %parallel_loop3A_160], %parallel_loop3A_157 {strides = array<i32>} : memref<16x1024xf32, #tpu.memory_space<vmem>>, vector<16xf32>,
        %parallel_loop3A_162 = arith.constant 512 : i32
        %parallel_loop3A_163 = arith.addi %parallel_loop3A_162, %parallel_loop3A_147 : i32
        %parallel_loop3A_164 = arith.index_cast %scan3A_144 : i32 to index
        %parallel_loop3A_165 = arith.index_cast %parallel_loop3A_163 : i32 to index
        %parallel_loop3A_166 = tpu.vector_load %arg13[%parallel_loop3A_164, %parallel_loop3A_165] {strides = array<i32>} : memref<16x1024xf32, #tpu.memory_space<vmem>>, vector<16xf32>,
        tpu.vector_store %arg13[%parallel_loop3A_164, %parallel_loop3A_165], %parallel_loop3A_158 {strides = array<i32>} : memref<16x1024xf32, #tpu.memory_space<vmem>>, vector<16xf32>,
      } {sc.loop_unroll_factor = 8 : i64, sc.parallel_access}
    }
    %scan3A_67 = arith.constant 16 : i32
    %dma_start3A_68 = arith.constant 48 : i32
    %dma_start3A_69 = tpu.memref_slice %arg6[%dma_start3A_68] : memref<64xi32, #tpu.memory_space<vmem>> -> memref<16xi32, #tpu.memory_space<vmem>>
    %dma_start3A_70 = arith.constant 0 : i32
    %dma_start3A_71 = arith.constant 0 : i32
    %dma_start3A_72 = tpu.memref_slice %arg4[%dma_start3A_70, %dma_start3A_71] : memref<4608x512xi32, #tpu.memory_space<hbm>> -> memref<4608x512xi32, #tpu.memory_space<hbm>>
    tpu.enqueue_indirect_dma source(%dma_start3A_72 : memref<4608x512xi32, #tpu.memory_space<hbm>>) target(%arg10 : memref<16x512xi32, #tpu.memory_space<vmem>>) offsets(%dma_start3A_69 : memref<16xi32, #tpu.memory_space<vmem>>) semaphore(%arg16 : memref<!tpu.dma_semaphore, #tpu.memory_space<semaphore_mem>>)
    %dma_start3A_73 = arith.constant 48 : i32
    %dma_start3A_74 = tpu.memref_slice %arg7[%dma_start3A_73] : memref<64xi32, #tpu.memory_space<vmem>> -> memref<16xi32, #tpu.memory_space<vmem>>
    %dma_start3A_75 = arith.constant 0 : i32
    %dma_start3A_76 = arith.constant 0 : i32
    %dma_start3A_77 = tpu.memref_slice %arg4[%dma_start3A_75, %dma_start3A_76] : memref<4608x512xi32, #tpu.memory_space<hbm>> -> memref<4608x512xi32, #tpu.memory_space<hbm>>
    tpu.enqueue_indirect_dma source(%dma_start3A_77 : memref<4608x512xi32, #tpu.memory_space<hbm>>) target(%arg11 : memref<16x512xi32, #tpu.memory_space<vmem>>) offsets(%dma_start3A_74 : memref<16xi32, #tpu.memory_space<vmem>>) semaphore(%arg17 : memref<!tpu.dma_semaphore, #tpu.memory_space<semaphore_mem>>)
    %add3A_78 = arith.constant 16 : i32
    %add3A_79 = arith.addi %mul3A_2, %add3A_78 : i32
    %dma_start3A_80 = arith.constant 0 : i32
    %dma_start3A_81 = tpu.memref_slice %arg5[%add3A_79, %dma_start3A_80] : memref<2048x1024xf32, #tpu.memory_space<hbm>> -> memref<16x1024xf32, #tpu.memory_space<hbm>>
    %dma_start3A_82 = arith.constant 0 : i32
    %dma_start3A_83 = tpu.memref_slice %arg5[%add3A_79, %dma_start3A_82] : memref<2048x1024xf32, #tpu.memory_space<hbm>> -> memref<16x1024xf32, #tpu.memory_space<hbm>>
    tpu.enqueue_dma source(%arg13 : memref<16x1024xf32, #tpu.memory_space<vmem>>) target(%dma_start3A_83 : memref<16x1024xf32, #tpu.memory_space<hbm>>) target_semaphore(%arg19 : memref<!tpu.dma_semaphore, #tpu.memory_space<semaphore_mem>>)
    %dma_wait3A_84 = arith.constant 32 : i32
    %dma_wait3A_85 = tpu.memref_slice %arg6[%dma_wait3A_84] : memref<64xi32, #tpu.memory_space<vmem>> -> memref<16xi32, #tpu.memory_space<vmem>>
    %dma_wait3A_86 = arith.constant 0 : i32
    %dma_wait3A_87 = arith.constant 0 : i32
    %dma_wait3A_88 = tpu.memref_slice %arg4[%dma_wait3A_86, %dma_wait3A_87] : memref<4608x512xi32, #tpu.memory_space<hbm>> -> memref<4608x512xi32, #tpu.memory_space<hbm>>
    tpu.wait_indirect_dma semaphore(%arg14 : memref<!tpu.dma_semaphore, #tpu.memory_space<semaphore_mem>>) src(%dma_wait3A_88 : memref<4608x512xi32, #tpu.memory_space<hbm>>) dst(%arg8 : memref<16x512xi32, #tpu.memory_space<vmem>>)
    %dma_wait3A_89 = arith.constant 32 : i32
    %dma_wait3A_90 = tpu.memref_slice %arg7[%dma_wait3A_89] : memref<64xi32, #tpu.memory_space<vmem>> -> memref<16xi32, #tpu.memory_space<vmem>>
    %dma_wait3A_91 = arith.constant 0 : i32
    %dma_wait3A_92 = arith.constant 0 : i32
    %dma_wait3A_93 = tpu.memref_slice %arg4[%dma_wait3A_91, %dma_wait3A_92] : memref<4608x512xi32, #tpu.memory_space<hbm>> -> memref<4608x512xi32, #tpu.memory_space<hbm>>
    tpu.wait_indirect_dma semaphore(%arg15 : memref<!tpu.dma_semaphore, #tpu.memory_space<semaphore_mem>>) src(%dma_wait3A_93 : memref<4608x512xi32, #tpu.memory_space<hbm>>) dst(%arg9 : memref<16x512xi32, #tpu.memory_space<vmem>>)
    %dma_wait3A_94 = arith.constant 0 : i32
    %dma_wait3A_95 = tpu.memref_slice %arg5[%add3A_47, %dma_wait3A_94] : memref<2048x1024xf32, #tpu.memory_space<hbm>> -> memref<16x1024xf32, #tpu.memory_space<hbm>>
    %dma_wait3A_96 = arith.constant 0 : i32
    %dma_wait3A_97 = tpu.memref_slice %arg5[%add3A_47, %dma_wait3A_96] : memref<2048x1024xf32, #tpu.memory_space<hbm>> -> memref<16x1024xf32, #tpu.memory_space<hbm>>
    tpu.wait_dma2 semaphore(%arg18 : memref<!tpu.dma_semaphore, #tpu.memory_space<semaphore_mem>>) src(%arg12 : memref<16x1024xf32, #tpu.memory_space<vmem>>) dst(%dma_wait3A_97 : memref<16x1024xf32, #tpu.memory_space<hbm>>)
    %scan3A_98 = arith.constant 0 : i32
    %scan3A_99 = arith.constant 0 : i32
    %scan3A_100 = arith.constant 16 : i32
    %scan3A_101 = arith.addi %scan3A_99, %scan3A_100 : i32
    %scan3A_102 = arith.constant 1 : i32
    scf.for %scan3A_144 = %scan3A_99 to %scan3A_101 step %scan3A_102  : i32 {
      %parallel_loop3A = arith.constant 0 : i32
      %parallel_loop3A_145 = arith.constant 512 : i32
      %parallel_loop3A_146 = arith.constant 16 : i32
      scf.for %parallel_loop3A_147 = %parallel_loop3A to %parallel_loop3A_145 step %parallel_loop3A_146  : i32 {
        %parallel_loop3A_148 = arith.index_cast %scan3A_144 : i32 to index
        %parallel_loop3A_149 = arith.index_cast %parallel_loop3A_147 : i32 to index
        %parallel_loop3A_150 = tpu.vector_load %arg8[%parallel_loop3A_148, %parallel_loop3A_149] {strides = array<i32>} : memref<16x512xi32, #tpu.memory_space<vmem>>, vector<16xi32>,
        %parallel_loop3A_151 = vector.bitcast %parallel_loop3A_150 : vector<16xi32> to vector<32xbf16>
        %parallel_loop3A_152 = arith.index_cast %scan3A_144 : i32 to index
        %parallel_loop3A_153 = arith.index_cast %parallel_loop3A_147 : i32 to index
        %parallel_loop3A_154 = tpu.vector_load %arg9[%parallel_loop3A_152, %parallel_loop3A_153] {strides = array<i32>} : memref<16x512xi32, #tpu.memory_space<vmem>>, vector<16xi32>,
        %parallel_loop3A_155 = vector.bitcast %parallel_loop3A_154 : vector<16xi32> to vector<32xbf16>
        %parallel_loop3A_156 = arith.addf %parallel_loop3A_151, %parallel_loop3A_155 : vector<32xbf16>
        %parallel_loop3A_157 = tpu.unpack_subelements %parallel_loop3A_156, 0 {pack_format = #tpu.pack_format<interleaved>} : vector<32xbf16> -> vector<16xf32>
        %parallel_loop3A_158 = tpu.unpack_subelements %parallel_loop3A_156, 1 {pack_format = #tpu.pack_format<interleaved>} : vector<32xbf16> -> vector<16xf32>
        %parallel_loop3A_159 = arith.index_cast %scan3A_144 : i32 to index
        %parallel_loop3A_160 = arith.index_cast %parallel_loop3A_147 : i32 to index
        %parallel_loop3A_161 = tpu.vector_load %arg12[%parallel_loop3A_159, %parallel_loop3A_160] {strides = array<i32>} : memref<16x1024xf32, #tpu.memory_space<vmem>>, vector<16xf32>,
        tpu.vector_store %arg12[%parallel_loop3A_159, %parallel_loop3A_160], %parallel_loop3A_157 {strides = array<i32>} : memref<16x1024xf32, #tpu.memory_space<vmem>>, vector<16xf32>,
        %parallel_loop3A_162 = arith.constant 512 : i32
        %parallel_loop3A_163 = arith.addi %parallel_loop3A_162, %parallel_loop3A_147 : i32
        %parallel_loop3A_164 = arith.index_cast %scan3A_144 : i32 to index
        %parallel_loop3A_165 = arith.index_cast %parallel_loop3A_163 : i32 to index
        %parallel_loop3A_166 = tpu.vector_load %arg12[%parallel_loop3A_164, %parallel_loop3A_165] {strides = array<i32>} : memref<16x1024xf32, #tpu.memory_space<vmem>>, vector<16xf32>,
        tpu.vector_store %arg12[%parallel_loop3A_164, %parallel_loop3A_165], %parallel_loop3A_158 {strides = array<i32>} : memref<16x1024xf32, #tpu.memory_space<vmem>>, vector<16xf32>,
      } {sc.loop_unroll_factor = 8 : i64, sc.parallel_access}
    }
    %scan3A_103 = arith.constant 16 : i32
    %add3A_104 = arith.constant 32 : i32
    %add3A_105 = arith.addi %mul3A_2, %add3A_104 : i32
    %dma_start3A_106 = arith.constant 0 : i32
    %dma_start3A_107 = tpu.memref_slice %arg5[%add3A_105, %dma_start3A_106] : memref<2048x1024xf32, #tpu.memory_space<hbm>> -> memref<16x1024xf32, #tpu.memory_space<hbm>>
    %dma_start3A_108 = arith.constant 0 : i32
    %dma_start3A_109 = tpu.memref_slice %arg5[%add3A_105, %dma_start3A_108] : memref<2048x1024xf32, #tpu.memory_space<hbm>> -> memref<16x1024xf32, #tpu.memory_space<hbm>>
    tpu.enqueue_dma source(%arg12 : memref<16x1024xf32, #tpu.memory_space<vmem>>) target(%dma_start3A_109 : memref<16x1024xf32, #tpu.memory_space<hbm>>) target_semaphore(%arg18 : memref<!tpu.dma_semaphore, #tpu.memory_space<semaphore_mem>>)
    %dma_wait3A_110 = arith.constant 48 : i32
    %dma_wait3A_111 = tpu.memref_slice %arg6[%dma_wait3A_110] : memref<64xi32, #tpu.memory_space<vmem>> -> memref<16xi32, #tpu.memory_space<vmem>>
    %dma_wait3A_112 = arith.constant 0 : i32
    %dma_wait3A_113 = arith.constant 0 : i32
    %dma_wait3A_114 = tpu.memref_slice %arg4[%dma_wait3A_112, %dma_wait3A_113] : memref<4608x512xi32, #tpu.memory_space<hbm>> -> memref<4608x512xi32, #tpu.memory_space<hbm>>
    tpu.wait_indirect_dma semaphore(%arg16 : memref<!tpu.dma_semaphore, #tpu.memory_space<semaphore_mem>>) src(%dma_wait3A_114 : memref<4608x512xi32, #tpu.memory_space<hbm>>) dst(%arg10 : memref<16x512xi32, #tpu.memory_space<vmem>>)
    %dma_wait3A_115 = arith.constant 48 : i32
    %dma_wait3A_116 = tpu.memref_slice %arg7[%dma_wait3A_115] : memref<64xi32, #tpu.memory_space<vmem>> -> memref<16xi32, #tpu.memory_space<vmem>>
    %dma_wait3A_117 = arith.constant 0 : i32
    %dma_wait3A_118 = arith.constant 0 : i32
    %dma_wait3A_119 = tpu.memref_slice %arg4[%dma_wait3A_117, %dma_wait3A_118] : memref<4608x512xi32, #tpu.memory_space<hbm>> -> memref<4608x512xi32, #tpu.memory_space<hbm>>
    tpu.wait_indirect_dma semaphore(%arg17 : memref<!tpu.dma_semaphore, #tpu.memory_space<semaphore_mem>>) src(%dma_wait3A_119 : memref<4608x512xi32, #tpu.memory_space<hbm>>) dst(%arg11 : memref<16x512xi32, #tpu.memory_space<vmem>>)
    %dma_wait3A_120 = arith.constant 0 : i32
    %dma_wait3A_121 = tpu.memref_slice %arg5[%add3A_79, %dma_wait3A_120] : memref<2048x1024xf32, #tpu.memory_space<hbm>> -> memref<16x1024xf32, #tpu.memory_space<hbm>>
    %dma_wait3A_122 = arith.constant 0 : i32
    %dma_wait3A_123 = tpu.memref_slice %arg5[%add3A_79, %dma_wait3A_122] : memref<2048x1024xf32, #tpu.memory_space<hbm>> -> memref<16x1024xf32, #tpu.memory_space<hbm>>
    tpu.wait_dma2 semaphore(%arg19 : memref<!tpu.dma_semaphore, #tpu.memory_space<semaphore_mem>>) src(%arg13 : memref<16x1024xf32, #tpu.memory_space<vmem>>) dst(%dma_wait3A_123 : memref<16x1024xf32, #tpu.memory_space<hbm>>)
    %scan3A_124 = arith.constant 0 : i32
    %scan3A_125 = arith.constant 0 : i32
    %scan3A_126 = arith.constant 16 : i32
    %scan3A_127 = arith.addi %scan3A_125, %scan3A_126 : i32
    %scan3A_128 = arith.constant 1 : i32
    scf.for %scan3A_144 = %scan3A_125 to %scan3A_127 step %scan3A_128  : i32 {
      %parallel_loop3A = arith.constant 0 : i32
      %parallel_loop3A_145 = arith.constant 512 : i32
      %parallel_loop3A_146 = arith.constant 16 : i32
      scf.for %parallel_loop3A_147 = %parallel_loop3A to %parallel_loop3A_145 step %parallel_loop3A_146  : i32 {
        %parallel_loop3A_148 = arith.index_cast %scan3A_144 : i32 to index
        %parallel_loop3A_149 = arith.index_cast %parallel_loop3A_147 : i32 to index
        %parallel_loop3A_150 = tpu.vector_load %arg10[%parallel_loop3A_148, %parallel_loop3A_149] {strides = array<i32>} : memref<16x512xi32, #tpu.memory_space<vmem>>, vector<16xi32>,
        %parallel_loop3A_151 = vector.bitcast %parallel_loop3A_150 : vector<16xi32> to vector<32xbf16>
        %parallel_loop3A_152 = arith.index_cast %scan3A_144 : i32 to index
        %parallel_loop3A_153 = arith.index_cast %parallel_loop3A_147 : i32 to index
        %parallel_loop3A_154 = tpu.vector_load %arg11[%parallel_loop3A_152, %parallel_loop3A_153] {strides = array<i32>} : memref<16x512xi32, #tpu.memory_space<vmem>>, vector<16xi32>,
        %parallel_loop3A_155 = vector.bitcast %parallel_loop3A_154 : vector<16xi32> to vector<32xbf16>
        %parallel_loop3A_156 = arith.addf %parallel_loop3A_151, %parallel_loop3A_155 : vector<32xbf16>
        %parallel_loop3A_157 = tpu.unpack_subelements %parallel_loop3A_156, 0 {pack_format = #tpu.pack_format<interleaved>} : vector<32xbf16> -> vector<16xf32>
        %parallel_loop3A_158 = tpu.unpack_subelements %parallel_loop3A_156, 1 {pack_format = #tpu.pack_format<interleaved>} : vector<32xbf16> -> vector<16xf32>
        %parallel_loop3A_159 = arith.index_cast %scan3A_144 : i32 to index
        %parallel_loop3A_160 = arith.index_cast %parallel_loop3A_147 : i32 to index
        %parallel_loop3A_161 = tpu.vector_load %arg13[%parallel_loop3A_159, %parallel_loop3A_160] {strides = array<i32>} : memref<16x1024xf32, #tpu.memory_space<vmem>>, vector<16xf32>,
        tpu.vector_store %arg13[%parallel_loop3A_159, %parallel_loop3A_160], %parallel_loop3A_157 {strides = array<i32>} : memref<16x1024xf32, #tpu.memory_space<vmem>>, vector<16xf32>,
        %parallel_loop3A_162 = arith.constant 512 : i32
        %parallel_loop3A_163 = arith.addi %parallel_loop3A_162, %parallel_loop3A_147 : i32
        %parallel_loop3A_164 = arith.index_cast %scan3A_144 : i32 to index
        %parallel_loop3A_165 = arith.index_cast %parallel_loop3A_163 : i32 to index
        %parallel_loop3A_166 = tpu.vector_load %arg13[%parallel_loop3A_164, %parallel_loop3A_165] {strides = array<i32>} : memref<16x1024xf32, #tpu.memory_space<vmem>>, vector<16xf32>,
        tpu.vector_store %arg13[%parallel_loop3A_164, %parallel_loop3A_165], %parallel_loop3A_158 {strides = array<i32>} : memref<16x1024xf32, #tpu.memory_space<vmem>>, vector<16xf32>,
      } {sc.loop_unroll_factor = 8 : i64, sc.parallel_access}
    }
    %scan3A_129 = arith.constant 16 : i32
    %add3A_130 = arith.constant 48 : i32
    %add3A_131 = arith.addi %mul3A_2, %add3A_130 : i32
    %dma_start3A_132 = arith.constant 0 : i32
    %dma_start3A_133 = tpu.memref_slice %arg5[%add3A_131, %dma_start3A_132] : memref<2048x1024xf32, #tpu.memory_space<hbm>> -> memref<16x1024xf32, #tpu.memory_space<hbm>>
    %dma_start3A_134 = arith.constant 0 : i32
    %dma_start3A_135 = tpu.memref_slice %arg5[%add3A_131, %dma_start3A_134] : memref<2048x1024xf32, #tpu.memory_space<hbm>> -> memref<16x1024xf32, #tpu.memory_space<hbm>>
    tpu.enqueue_dma source(%arg13 : memref<16x1024xf32, #tpu.memory_space<vmem>>) target(%dma_start3A_135 : memref<16x1024xf32, #tpu.memory_space<hbm>>) target_semaphore(%arg19 : memref<!tpu.dma_semaphore, #tpu.memory_space<semaphore_mem>>)
    %dma_wait3A_136 = arith.constant 0 : i32
    %dma_wait3A_137 = tpu.memref_slice %arg5[%add3A_105, %dma_wait3A_136] : memref<2048x1024xf32, #tpu.memory_space<hbm>> -> memref<16x1024xf32, #tpu.memory_space<hbm>>
    %dma_wait3A_138 = arith.constant 0 : i32
    %dma_wait3A_139 = tpu.memref_slice %arg5[%add3A_105, %dma_wait3A_138] : memref<2048x1024xf32, #tpu.memory_space<hbm>> -> memref<16x1024xf32, #tpu.memory_space<hbm>>
    tpu.wait_dma2 semaphore(%arg18 : memref<!tpu.dma_semaphore, #tpu.memory_space<semaphore_mem>>) src(%arg12 : memref<16x1024xf32, #tpu.memory_space<vmem>>) dst(%dma_wait3A_139 : memref<16x1024xf32, #tpu.memory_space<hbm>>)
    %dma_wait3A_140 = arith.constant 0 : i32
    %dma_wait3A_141 = tpu.memref_slice %arg5[%add3A_131, %dma_wait3A_140] : memref<2048x1024xf32, #tpu.memory_space<hbm>> -> memref<16x1024xf32, #tpu.memory_space<hbm>>
    %dma_wait3A_142 = arith.constant 0 : i32
    %dma_wait3A_143 = tpu.memref_slice %arg5[%add3A_131, %dma_wait3A_142] : memref<2048x1024xf32, #tpu.memory_space<hbm>> -> memref<16x1024xf32, #tpu.memory_space<hbm>>
    tpu.wait_dma2 semaphore(%arg19 : memref<!tpu.dma_semaphore, #tpu.memory_space<semaphore_mem>>) src(%arg13 : memref<16x1024xf32, #tpu.memory_space<vmem>>) dst(%dma_wait3A_143 : memref<16x1024xf32, #tpu.memory_space<hbm>>)
    return
  }
}

module attributes {stable_mosaic.version = 14 : i64} {
  func.func @_mm_body(%arg0: i32, %arg1: memref<512x512xi32, #tpu.memory_space<vmem>>, %arg2: memref<1x1024x1024xf32, #tpu.memory_space<vmem>>, %arg3: memref<1x1x1024xf32, #tpu.memory_space<vmem>>, %arg4: memref<512xf32, #tpu.memory_space<vmem>>, %arg5: memref<512x512xi32, #tpu.memory_space<vmem>>) attributes {dimension_semantics = [#tpu.dimension_semantics<arbitrary>], iteration_bounds = array<i64: 9>, scalar_prefetch = 0 : i64, scratch_operands = 0 : i64, tpu.core_type = #tpu.core_type<tc>, window_params = [{transform_indices = @transform_0, window_bounds = array<i64: 512, 512>}, {transform_indices = @transform_1, window_bounds = array<i64: 1, 1024, 1024>}, {transform_indices = @transform_2, window_bounds = array<i64: 1, 1, 1024>}, {transform_indices = @transform_3, window_bounds = array<i64: 512>}, {transform_indices = @transform_4, window_bounds = array<i64: 512, 512>}]} {
    %get3A = arith.constant 0 : index
    %get3A_0 = arith.constant 0 : index
    %get3A_1 = vector.load %arg1[%get3A, %get3A_0] : memref<512x512xi32, #tpu.memory_space<vmem>>, vector<512x512xi32>
    %unpack_elementwise3A = tpu.unpack_elementwise %get3A_1, 0 {source_type = bf16} : vector<512x512xi32> -> vector<512x512xf32>
    %convert_element_type3A = arith.truncf %unpack_elementwise3A : vector<512x512xf32> to vector<512x512xbf16>
    %unpack_elementwise3A_2 = tpu.unpack_elementwise %get3A_1, 1 {source_type = bf16} : vector<512x512xi32> -> vector<512x512xf32>
    %convert_element_type3A_3 = arith.truncf %unpack_elementwise3A_2 : vector<512x512xf32> to vector<512x512xbf16>
    %get3A_4 = arith.constant 0 : index
    %get3A_5 = arith.constant 0 : index
    %get3A_6 = arith.constant 0 : index
    %get3A_7 = vector.load %arg2[%get3A_4, %get3A_5, %get3A_6] : memref<1x1024x1024xf32, #tpu.memory_space<vmem>>, vector<1x1024x1024xf32>
    %get3A_8 = vector.shape_cast %get3A_7 : vector<1x1024x1024xf32> to vector<1024x1024xf32>
    %convert_element_type3A_9 = arith.truncf %get3A_8 : vector<1024x1024xf32> to vector<1024x1024xbf16>
    %slice3A = vector.extract_strided_slice %convert_element_type3A_9 {offsets = [0, 0], sizes = [1024, 512], strides = [1, 1]} : vector<1024x1024xbf16> to vector<1024x512xbf16>
    %dot_general3A = arith.constant dense<0.000000e+00> : vector<512x1024xf32>
    %dot_general3A_10 = tpu.matmul %convert_element_type3A, %slice3A, %dot_general3A {dimension_numbers = #tpu.dot_dimension_numbers<[1], [1], [0], [0], [0, 0, 1, 0], [], []>, transpose_lhs_hint = false} : vector<512x512xbf16>, vector<1024x512xbf16>, vector<512x1024xf32> -> vector<512x1024xf32>
    %slice3A_11 = vector.extract_strided_slice %convert_element_type3A_9 {offsets = [0, 512], sizes = [1024, 512], strides = [1, 1]} : vector<1024x1024xbf16> to vector<1024x512xbf16>
    %dot_general3A_12 = arith.constant dense<0.000000e+00> : vector<512x1024xf32>
    %dot_general3A_13 = tpu.matmul %convert_element_type3A_3, %slice3A_11, %dot_general3A_12 {dimension_numbers = #tpu.dot_dimension_numbers<[1], [1], [0], [0], [0, 0, 1, 0], [], []>, transpose_lhs_hint = false} : vector<512x512xbf16>, vector<1024x512xbf16>, vector<512x1024xf32> -> vector<512x1024xf32>
    %add3A = arith.addf %dot_general3A_10, %dot_general3A_13 : vector<512x1024xf32>
    %get3A_14 = arith.constant 0 : index
    %get3A_15 = arith.constant 0 : index
    %get3A_16 = arith.constant 0 : index
    %get3A_17 = vector.load %arg3[%get3A_14, %get3A_15, %get3A_16] : memref<1x1x1024xf32, #tpu.memory_space<vmem>>, vector<1x1x1024xf32>
    %get3A_18 = vector.shape_cast %get3A_17 : vector<1x1x1024xf32> to vector<1x1024xf32>
    %add3A_19 = vector.broadcast %get3A_18 : vector<1x1024xf32> to vector<512x1024xf32>
    %add3A_20 = arith.addf %add3A, %add3A_19 : vector<512x1024xf32>
    %get3A_21 = arith.constant 0 : index
    %get3A_22 = vector.load %arg4[%get3A_21] : memref<512xf32, #tpu.memory_space<vmem>>, vector<512xf32>
    %reshape3A = vector.shape_cast %get3A_22 : vector<512xf32> to vector<512x1xf32>
    %gt3A = arith.constant 0.000000e+00 : f32
    %gt3A_23 = vector.broadcast %gt3A : f32 to vector<512x1xf32>
    %gt3A_24 = arith.cmpf ogt, %reshape3A, %gt3A_23 : vector<512x1xf32>
    %mul3A = vector.broadcast %reshape3A : vector<512x1xf32> to vector<512x1024xf32>
    %mul3A_25 = arith.mulf %add3A_20, %mul3A : vector<512x1024xf32>
    %jit3A = arith.constant 0.000000e+00 : f32
    %broadcast_in_dim3A = vector.shape_cast %gt3A_24 : vector<512x1xi1> to vector<512x1xi1>
    %broadcast_in_dim3A_26 = vector.broadcast %broadcast_in_dim3A : vector<512x1xi1> to vector<512x1024xi1>
    %broadcast_in_dim3A_27 = vector.broadcast %jit3A : f32 to vector<512x1024xf32>
    %select_n3A = arith.select %broadcast_in_dim3A_26, %mul3A_25, %broadcast_in_dim3A_27 : vector<512x1024xi1>, vector<512x1024xf32>
    %slice3A_28 = vector.extract_strided_slice %select_n3A {offsets = [0, 0], sizes = [512, 512], strides = [1, 1]} : vector<512x1024xf32> to vector<512x512xf32>
    %slice3A_29 = vector.extract_strided_slice %select_n3A {offsets = [0, 512], sizes = [512, 512], strides = [1, 1]} : vector<512x1024xf32> to vector<512x512xf32>
    %pack_elementwise3A = tpu.pack_elementwise %slice3A_28, %slice3A_29 {target_type = bf16} : vector<512x512xf32>, vector<512x512xf32> -> vector<512x512xi32>
    %bitcast_convert_type3A = tpu.bitcast %pack_elementwise3A : vector<512x512xi32> -> vector<512x512xi32>
    %swap3A = arith.constant 0 : index
    %swap3A_30 = arith.constant 0 : index
    %swap3A_31 = vector.load %arg5[%swap3A, %swap3A_30] : memref<512x512xi32, #tpu.memory_space<vmem>>, vector<512x512xi32>
    tpu.vector_store %arg5[%swap3A, %swap3A_30], %bitcast_convert_type3A {strides = array<i32>} : memref<512x512xi32, #tpu.memory_space<vmem>>, vector<512x512xi32>,
    return
  }
  func.func @transform_0(%arg0: i32) -> (i32, i32) {
    %c0_i32 = arith.constant 0 : i32
    %c0_i32_0 = arith.constant 0 : i32
    return %arg0, %c0_i32 : i32, i32
  }
  func.func @transform_1(%arg0: i32) -> (i32, i32, i32) {
    %min3A = arith.constant 7 : i32
    %min3A_0 = arith.minsi %arg0, %min3A : i32
    %c0_i32 = arith.constant 0 : i32
    %c0_i32_1 = arith.constant 0 : i32
    %c0_i32_2 = arith.constant 0 : i32
    return %min3A_0, %c0_i32, %c0_i32_1 : i32, i32, i32
  }
  func.func @transform_2(%arg0: i32) -> (i32, i32, i32) {
    %min3A = arith.constant 7 : i32
    %min3A_0 = arith.minsi %arg0, %min3A : i32
    %c0_i32 = arith.constant 0 : i32
    %c0_i32_1 = arith.constant 0 : i32
    %c0_i32_2 = arith.constant 0 : i32
    return %min3A_0, %c0_i32, %c0_i32_1 : i32, i32, i32
  }
  func.func @transform_3(%arg0: i32) -> i32 {
    %c0_i32 = arith.constant 0 : i32
    return %arg0 : i32
  }
  func.func @transform_4(%arg0: i32) -> (i32, i32) {
    %c0_i32 = arith.constant 0 : i32
    %c0_i32_0 = arith.constant 0 : i32
    return %arg0, %c0_i32 : i32, i32
  }
}

module attributes {stable_mosaic.version = 14 : i64} {
  func.func @_gating_body(%arg0: memref<2048x1024xf32, #tpu.memory_space<vmem>>, %arg1: memref<8x1024xf32, #tpu.memory_space<vmem>>, %arg2: memref<2048x8xf32, #tpu.memory_space<vmem>>, %arg3: memref<16x128xi32, #tpu.memory_space<vmem>>, %arg4: memref<16x128xi32, #tpu.memory_space<vmem>>, %arg5: memref<16x128xf32, #tpu.memory_space<vmem>>, %arg6: memref<16x128xf32, #tpu.memory_space<vmem>>, %arg7: memref<2048x512xi32, #tpu.memory_space<vmem>>) attributes {dimension_semantics = [], scalar_prefetch = 0 : i64, scratch_operands = 0 : i64, tpu.core_type = #tpu.core_type<tc>} {
    %get3A = arith.constant 0 : index
    %get3A_0 = arith.constant 0 : index
    %get3A_1 = vector.load %arg0[%get3A, %get3A_0] : memref<2048x1024xf32, #tpu.memory_space<vmem>>, vector<2048x1024xf32>
    %get3A_2 = arith.constant 0 : index
    %get3A_3 = arith.constant 0 : index
    %get3A_4 = vector.load %arg1[%get3A_2, %get3A_3] : memref<8x1024xf32, #tpu.memory_space<vmem>>, vector<8x1024xf32>
    %dot_general3A = arith.constant dense<0.000000e+00> : vector<2048x8xf32>
    %dot_general3A_5 = tpu.matmul %get3A_1, %get3A_4, %dot_general3A {dimension_numbers = #tpu.dot_dimension_numbers<[1], [1], [0], [0], [0, 0, 1, 0], [], []>, transpose_lhs_hint = false} : vector<2048x1024xf32>, vector<8x1024xf32>, vector<2048x8xf32> -> vector<2048x8xf32>
    %iota3A = tpu.iota {dimensions = array<i32: 1>} : vector<2048x8xi32>
    %reduce_max3A = arith.constant dense<0xFF800000> : vector<2048xf32>
    %reduce_max3A_6 = vector.multi_reduction <maximumf>, %dot_general3A_5, %reduce_max3A [1] : vector<2048x8xf32> to vector<2048xf32>
    %broadcast_in_dim3A = vector.shape_cast %reduce_max3A_6 : vector<2048xf32> to vector<2048x1xf32>
    %sub3A = vector.broadcast %broadcast_in_dim3A : vector<2048x1xf32> to vector<2048x8xf32>
    %sub3A_7 = arith.subf %dot_general3A_5, %sub3A : vector<2048x8xf32>
    %exp3A = math.exp %sub3A_7 : vector<2048x8xf32>
    %reduce_sum3A = arith.constant dense<0.000000e+00> : vector<2048xf32>
    %reduce_sum3A_8 = vector.multi_reduction <add>, %exp3A, %reduce_sum3A [1] : vector<2048x8xf32> to vector<2048xf32>
    %broadcast_in_dim3A_9 = vector.shape_cast %reduce_sum3A_8 : vector<2048xf32> to vector<2048x1xf32>
    %div3A = vector.broadcast %broadcast_in_dim3A_9 : vector<2048x1xf32> to vector<2048x8xf32>
    %div3A_10 = arith.divf %exp3A, %div3A : vector<2048x8xf32>
    %reduce_max3A_11 = arith.constant dense<0xFF800000> : vector<2048xf32>
    %reduce_max3A_12 = vector.multi_reduction <maximumf>, %dot_general3A_5, %reduce_max3A_11 [1] : vector<2048x8xf32> to vector<2048xf32>
    %broadcast_in_dim3A_13 = vector.shape_cast %reduce_max3A_12 : vector<2048xf32> to vector<2048x1xf32>
    %eq3A = vector.broadcast %broadcast_in_dim3A_13 : vector<2048x1xf32> to vector<2048x8xf32>
    %eq3A_14 = arith.cmpf oeq, %dot_general3A_5, %eq3A : vector<2048x8xf32>
    %jit3A = arith.constant 8 : i32
    %broadcast_in_dim3A_15 = vector.broadcast %jit3A : i32 to vector<2048x8xi32>
    %select_n3A = arith.select %eq3A_14, %iota3A, %broadcast_in_dim3A_15 : vector<2048x8xi1>, vector<2048x8xi32>
    %reduce_min3A = arith.constant dense<2147483647> : vector<2048xi32>
    %reduce_min3A_16 = vector.multi_reduction <minsi>, %select_n3A, %reduce_min3A [1] : vector<2048x8xi32> to vector<2048xi32>
    %broadcast_in_dim3A_17 = vector.shape_cast %reduce_min3A_16 : vector<2048xi32> to vector<2048x1xi32>
    %eq3A_18 = vector.broadcast %broadcast_in_dim3A_17 : vector<2048x1xi32> to vector<2048x8xi32>
    %eq3A_19 = arith.cmpi eq, %iota3A, %eq3A_18 : vector<2048x8xi32>
    %get3A_20 = arith.constant 0 : index
    %get3A_21 = arith.constant 0 : index
    %get3A_22 = vector.load %arg2[%get3A_20, %get3A_21] : memref<2048x8xf32, #tpu.memory_space<vmem>>, vector<2048x8xf32>
    %add3A = arith.addf %dot_general3A_5, %get3A_22 : vector<2048x8xf32>
    %jit3A_23 = arith.constant 0xFF800000 : f32
    %broadcast_in_dim3A_24 = vector.broadcast %jit3A_23 : f32 to vector<2048x8xf32>
    %select_n3A_25 = arith.select %eq3A_19, %broadcast_in_dim3A_24, %add3A : vector<2048x8xi1>, vector<2048x8xf32>
    %reduce_max3A_26 = arith.constant dense<0xFF800000> : vector<2048xf32>
    %reduce_max3A_27 = vector.multi_reduction <maximumf>, %select_n3A_25, %reduce_max3A_26 [1] : vector<2048x8xf32> to vector<2048xf32>
    %broadcast_in_dim3A_28 = vector.shape_cast %reduce_max3A_27 : vector<2048xf32> to vector<2048x1xf32>
    %eq3A_29 = vector.broadcast %broadcast_in_dim3A_28 : vector<2048x1xf32> to vector<2048x8xf32>
    %eq3A_30 = arith.cmpf oeq, %select_n3A_25, %eq3A_29 : vector<2048x8xf32>
    %jit3A_31 = arith.constant 8 : i32
    %broadcast_in_dim3A_32 = vector.broadcast %jit3A_31 : i32 to vector<2048x8xi32>
    %select_n3A_33 = arith.select %eq3A_30, %iota3A, %broadcast_in_dim3A_32 : vector<2048x8xi1>, vector<2048x8xi32>
    %reduce_min3A_34 = arith.constant dense<2147483647> : vector<2048xi32>
    %reduce_min3A_35 = vector.multi_reduction <minsi>, %select_n3A_33, %reduce_min3A_34 [1] : vector<2048x8xi32> to vector<2048xi32>
    %broadcast_in_dim3A_36 = vector.shape_cast %reduce_min3A_35 : vector<2048xi32> to vector<2048x1xi32>
    %eq3A_37 = vector.broadcast %broadcast_in_dim3A_36 : vector<2048x1xi32> to vector<2048x8xi32>
    %eq3A_38 = arith.cmpi eq, %iota3A, %eq3A_37 : vector<2048x8xi32>
    %convert_element_type3A = arith.extui %eq3A_19 : vector<2048x8xi1> to vector<2048x8xi32>
    %convert_element_type3A_39 = arith.sitofp %convert_element_type3A : vector<2048x8xi32> to vector<2048x8xf32>
    %convert_element_type3A_40 = arith.extui %eq3A_38 : vector<2048x8xi1> to vector<2048x8xi32>
    %convert_element_type3A_41 = arith.sitofp %convert_element_type3A_40 : vector<2048x8xi32> to vector<2048x8xf32>
    %concatenate3A = tpu.concatenate %convert_element_type3A_39, %convert_element_type3A_41 in 1 : vector<2048x8xf32>, vector<2048x8xf32> -> vector<2048x16xf32>
    %broadcast_in_dim3A_42 = arith.constant 0.000000e+00 : f32
    %broadcast_in_dim3A_43 = vector.broadcast %broadcast_in_dim3A_42 : f32 to vector<1x16xf32>
    %slice3A = vector.extract_strided_slice %concatenate3A {offsets = [0, 0], sizes = [2047, 16], strides = [1, 1]} : vector<2048x16xf32> to vector<2047x16xf32>
    %concatenate3A_44 = tpu.concatenate %broadcast_in_dim3A_43, %slice3A in 0 : vector<1x16xf32>, vector<2047x16xf32> -> vector<2048x16xf32>
    %add3A_45 = arith.addf %concatenate3A, %concatenate3A_44 : vector<2048x16xf32>
    %broadcast_in_dim3A_46 = arith.constant 0.000000e+00 : f32
    %broadcast_in_dim3A_47 = vector.broadcast %broadcast_in_dim3A_46 : f32 to vector<2x16xf32>
    %slice3A_48 = vector.extract_strided_slice %add3A_45 {offsets = [0, 0], sizes = [2046, 16], strides = [1, 1]} : vector<2048x16xf32> to vector<2046x16xf32>
    %concatenate3A_49 = tpu.concatenate %broadcast_in_dim3A_47, %slice3A_48 in 0 : vector<2x16xf32>, vector<2046x16xf32> -> vector<2048x16xf32>
    %add3A_50 = arith.addf %add3A_45, %concatenate3A_49 : vector<2048x16xf32>
    %broadcast_in_dim3A_51 = arith.constant 0.000000e+00 : f32
    %broadcast_in_dim3A_52 = vector.broadcast %broadcast_in_dim3A_51 : f32 to vector<4x16xf32>
    %slice3A_53 = vector.extract_strided_slice %add3A_50 {offsets = [0, 0], sizes = [2044, 16], strides = [1, 1]} : vector<2048x16xf32> to vector<2044x16xf32>
    %concatenate3A_54 = tpu.concatenate %broadcast_in_dim3A_52, %slice3A_53 in 0 : vector<4x16xf32>, vector<2044x16xf32> -> vector<2048x16xf32>
    %add3A_55 = arith.addf %add3A_50, %concatenate3A_54 : vector<2048x16xf32>
    %broadcast_in_dim3A_56 = arith.constant 0.000000e+00 : f32
    %broadcast_in_dim3A_57 = vector.broadcast %broadcast_in_dim3A_56 : f32 to vector<8x16xf32>
    %slice3A_58 = vector.extract_strided_slice %add3A_55 {offsets = [0, 0], sizes = [2040, 16], strides = [1, 1]} : vector<2048x16xf32> to vector<2040x16xf32>
    %concatenate3A_59 = tpu.concatenate %broadcast_in_dim3A_57, %slice3A_58 in 0 : vector<8x16xf32>, vector<2040x16xf32> -> vector<2048x16xf32>
    %add3A_60 = arith.addf %add3A_55, %concatenate3A_59 : vector<2048x16xf32>
    %broadcast_in_dim3A_61 = arith.constant 0.000000e+00 : f32
    %broadcast_in_dim3A_62 = vector.broadcast %broadcast_in_dim3A_61 : f32 to vector<16x16xf32>
    %slice3A_63 = vector.extract_strided_slice %add3A_60 {offsets = [0, 0], sizes = [2032, 16], strides = [1, 1]} : vector<2048x16xf32> to vector<2032x16xf32>
    %concatenate3A_64 = tpu.concatenate %broadcast_in_dim3A_62, %slice3A_63 in 0 : vector<16x16xf32>, vector<2032x16xf32> -> vector<2048x16xf32>
    %add3A_65 = arith.addf %add3A_60, %concatenate3A_64 : vector<2048x16xf32>
    %broadcast_in_dim3A_66 = arith.constant 0.000000e+00 : f32
    %broadcast_in_dim3A_67 = vector.broadcast %broadcast_in_dim3A_66 : f32 to vector<32x16xf32>
    %slice3A_68 = vector.extract_strided_slice %add3A_65 {offsets = [0, 0], sizes = [2016, 16], strides = [1, 1]} : vector<2048x16xf32> to vector<2016x16xf32>
    %concatenate3A_69 = tpu.concatenate %broadcast_in_dim3A_67, %slice3A_68 in 0 : vector<32x16xf32>, vector<2016x16xf32> -> vector<2048x16xf32>
    %add3A_70 = arith.addf %add3A_65, %concatenate3A_69 : vector<2048x16xf32>
    %broadcast_in_dim3A_71 = arith.constant 0.000000e+00 : f32
    %broadcast_in_dim3A_72 = vector.broadcast %broadcast_in_dim3A_71 : f32 to vector<64x16xf32>
    %slice3A_73 = vector.extract_strided_slice %add3A_70 {offsets = [0, 0], sizes = [1984, 16], strides = [1, 1]} : vector<2048x16xf32> to vector<1984x16xf32>
    %concatenate3A_74 = tpu.concatenate %broadcast_in_dim3A_72, %slice3A_73 in 0 : vector<64x16xf32>, vector<1984x16xf32> -> vector<2048x16xf32>
    %add3A_75 = arith.addf %add3A_70, %concatenate3A_74 : vector<2048x16xf32>
    %broadcast_in_dim3A_76 = arith.constant 0.000000e+00 : f32
    %broadcast_in_dim3A_77 = vector.broadcast %broadcast_in_dim3A_76 : f32 to vector<128x16xf32>
    %slice3A_78 = vector.extract_strided_slice %add3A_75 {offsets = [0, 0], sizes = [1920, 16], strides = [1, 1]} : vector<2048x16xf32> to vector<1920x16xf32>
    %concatenate3A_79 = tpu.concatenate %broadcast_in_dim3A_77, %slice3A_78 in 0 : vector<128x16xf32>, vector<1920x16xf32> -> vector<2048x16xf32>
    %add3A_80 = arith.addf %add3A_75, %concatenate3A_79 : vector<2048x16xf32>
    %broadcast_in_dim3A_81 = arith.constant 0.000000e+00 : f32
    %broadcast_in_dim3A_82 = vector.broadcast %broadcast_in_dim3A_81 : f32 to vector<256x16xf32>
    %slice3A_83 = vector.extract_strided_slice %add3A_80 {offsets = [0, 0], sizes = [1792, 16], strides = [1, 1]} : vector<2048x16xf32> to vector<1792x16xf32>
    %concatenate3A_84 = tpu.concatenate %broadcast_in_dim3A_82, %slice3A_83 in 0 : vector<256x16xf32>, vector<1792x16xf32> -> vector<2048x16xf32>
    %add3A_85 = arith.addf %add3A_80, %concatenate3A_84 : vector<2048x16xf32>
    %broadcast_in_dim3A_86 = arith.constant 0.000000e+00 : f32
    %broadcast_in_dim3A_87 = vector.broadcast %broadcast_in_dim3A_86 : f32 to vector<512x16xf32>
    %slice3A_88 = vector.extract_strided_slice %add3A_85 {offsets = [0, 0], sizes = [1536, 16], strides = [1, 1]} : vector<2048x16xf32> to vector<1536x16xf32>
    %concatenate3A_89 = tpu.concatenate %broadcast_in_dim3A_87, %slice3A_88 in 0 : vector<512x16xf32>, vector<1536x16xf32> -> vector<2048x16xf32>
    %add3A_90 = arith.addf %add3A_85, %concatenate3A_89 : vector<2048x16xf32>
    %broadcast_in_dim3A_91 = arith.constant 0.000000e+00 : f32
    %broadcast_in_dim3A_92 = vector.broadcast %broadcast_in_dim3A_91 : f32 to vector<1024x16xf32>
    %slice3A_93 = vector.extract_strided_slice %add3A_90 {offsets = [0, 0], sizes = [1024, 16], strides = [1, 1]} : vector<2048x16xf32> to vector<1024x16xf32>
    %concatenate3A_94 = tpu.concatenate %broadcast_in_dim3A_92, %slice3A_93 in 0 : vector<1024x16xf32>, vector<1024x16xf32> -> vector<2048x16xf32>
    %add3A_95 = arith.addf %add3A_90, %concatenate3A_94 : vector<2048x16xf32>
    %slice3A_96 = vector.extract_strided_slice %add3A_95 {offsets = [0, 0], sizes = [2048, 8], strides = [1, 1]} : vector<2048x16xf32> to vector<2048x8xf32>
    %sub3A_97 = arith.constant 1.000000e+00 : f32
    %sub3A_98 = vector.broadcast %sub3A_97 : f32 to vector<2048x8xf32>
    %sub3A_99 = arith.subf %slice3A_96, %sub3A_98 : vector<2048x8xf32>
    %reduce_sum3A_100 = arith.constant dense<0.000000e+00> : vector<8xf32>
    %reduce_sum3A_101 = vector.multi_reduction <add>, %convert_element_type3A_39, %reduce_sum3A_100 [0] : vector<2048x8xf32> to vector<8xf32>
    %broadcast_in_dim3A_102 = vector.shape_cast %reduce_sum3A_101 : vector<8xf32> to vector<1x8xf32>
    %slice3A_103 = vector.extract_strided_slice %add3A_95 {offsets = [0, 8], sizes = [2048, 8], strides = [1, 1]} : vector<2048x16xf32> to vector<2048x8xf32>
    %sub3A_104 = arith.constant 1.000000e+00 : f32
    %sub3A_105 = vector.broadcast %sub3A_104 : f32 to vector<2048x8xf32>
    %sub3A_106 = arith.subf %slice3A_103, %sub3A_105 : vector<2048x8xf32>
    %add3A_107 = vector.broadcast %broadcast_in_dim3A_102 : vector<1x8xf32> to vector<2048x8xf32>
    %add3A_108 = arith.addf %sub3A_106, %add3A_107 : vector<2048x8xf32>
    %jit3A_109 = arith.constant 0.000000e+00 : f32
    %broadcast_in_dim3A_110 = vector.broadcast %jit3A_109 : f32 to vector<2048x8xf32>
    %select_n3A_111 = arith.select %eq3A_19, %sub3A_99, %broadcast_in_dim3A_110 : vector<2048x8xi1>, vector<2048x8xf32>
    %reduce_sum3A_112 = arith.constant dense<0.000000e+00> : vector<2048xf32>
    %reduce_sum3A_113 = vector.multi_reduction <add>, %select_n3A_111, %reduce_sum3A_112 [1] : vector<2048x8xf32> to vector<2048xf32>
    %broadcast_in_dim3A_114 = vector.shape_cast %reduce_sum3A_113 : vector<2048xf32> to vector<2048x1xf32>
    %jit3A_115 = arith.constant 0.000000e+00 : f32
    %broadcast_in_dim3A_116 = vector.broadcast %jit3A_115 : f32 to vector<2048x8xf32>
    %select_n3A_117 = arith.select %eq3A_38, %add3A_108, %broadcast_in_dim3A_116 : vector<2048x8xi1>, vector<2048x8xf32>
    %reduce_sum3A_118 = arith.constant dense<0.000000e+00> : vector<2048xf32>
    %reduce_sum3A_119 = vector.multi_reduction <add>, %select_n3A_117, %reduce_sum3A_118 [1] : vector<2048x8xf32> to vector<2048xf32>
    %broadcast_in_dim3A_120 = vector.shape_cast %reduce_sum3A_119 : vector<2048xf32> to vector<2048x1xf32>
    %lt3A = arith.constant 5.120000e+02 : f32
    %lt3A_121 = vector.broadcast %lt3A : f32 to vector<2048x1xf32>
    %lt3A_122 = arith.cmpf olt, %broadcast_in_dim3A_114, %lt3A_121 : vector<2048x1xf32>
    %lt3A_123 = arith.constant 5.120000e+02 : f32
    %lt3A_124 = vector.broadcast %lt3A_123 : f32 to vector<2048x1xf32>
    %lt3A_125 = arith.cmpf olt, %broadcast_in_dim3A_120, %lt3A_124 : vector<2048x1xf32>
    %jit3A_126 = arith.constant 0.000000e+00 : f32
    %broadcast_in_dim3A_127 = vector.broadcast %jit3A_126 : f32 to vector<2048x8xf32>
    %select_n3A_128 = arith.select %eq3A_19, %div3A_10, %broadcast_in_dim3A_127 : vector<2048x8xi1>, vector<2048x8xf32>
    %reduce_sum3A_129 = arith.constant dense<0.000000e+00> : vector<2048xf32>
    %reduce_sum3A_130 = vector.multi_reduction <add>, %select_n3A_128, %reduce_sum3A_129 [1] : vector<2048x8xf32> to vector<2048xf32>
    %broadcast_in_dim3A_131 = vector.shape_cast %reduce_sum3A_130 : vector<2048xf32> to vector<2048x1xf32>
    %jit3A_132 = arith.constant 0.000000e+00 : f32
    %broadcast_in_dim3A_133 = vector.broadcast %jit3A_132 : f32 to vector<2048x1xf32>
    %select_n3A_134 = arith.select %lt3A_122, %broadcast_in_dim3A_131, %broadcast_in_dim3A_133 : vector<2048x1xi1>, vector<2048x1xf32>
    %jit3A_135 = arith.constant 0.000000e+00 : f32
    %broadcast_in_dim3A_136 = vector.broadcast %jit3A_135 : f32 to vector<2048x8xf32>
    %select_n3A_137 = arith.select %eq3A_38, %div3A_10, %broadcast_in_dim3A_136 : vector<2048x8xi1>, vector<2048x8xf32>
    %reduce_sum3A_138 = arith.constant dense<0.000000e+00> : vector<2048xf32>
    %reduce_sum3A_139 = vector.multi_reduction <add>, %select_n3A_137, %reduce_sum3A_138 [1] : vector<2048x8xf32> to vector<2048xf32>
    %broadcast_in_dim3A_140 = vector.shape_cast %reduce_sum3A_139 : vector<2048xf32> to vector<2048x1xf32>
    %jit3A_141 = arith.constant 0.000000e+00 : f32
    %broadcast_in_dim3A_142 = vector.broadcast %jit3A_141 : f32 to vector<2048x1xf32>
    %select_n3A_143 = arith.select %lt3A_125, %broadcast_in_dim3A_140, %broadcast_in_dim3A_142 : vector<2048x1xi1>, vector<2048x1xf32>
    %add3A_144 = arith.addf %select_n3A_134, %select_n3A_143 : vector<2048x1xf32>
    %max3A = arith.constant 1.1920929E-7 : f32
    %max3A_145 = vector.broadcast %max3A : f32 to vector<2048x1xf32>
    %max3A_146 = arith.maximumf %add3A_144, %max3A_145 : vector<2048x1xf32>
    %div3A_147 = arith.divf %select_n3A_134, %max3A_146 : vector<2048x1xf32>
    %reshape3A = vector.shape_cast %div3A_147 : vector<2048x1xf32> to vector<16x128xf32>
    %swap3A = arith.constant 0 : index
    %swap3A_148 = arith.constant 0 : index
    %swap3A_149 = vector.load %arg5[%swap3A, %swap3A_148] : memref<16x128xf32, #tpu.memory_space<vmem>>, vector<16x128xf32>
    tpu.vector_store %arg5[%swap3A, %swap3A_148], %reshape3A {strides = array<i32>} : memref<16x128xf32, #tpu.memory_space<vmem>>, vector<16x128xf32>,
    %div3A_150 = arith.divf %select_n3A_143, %max3A_146 : vector<2048x1xf32>
    %reshape3A_151 = vector.shape_cast %div3A_150 : vector<2048x1xf32> to vector<16x128xf32>
    %swap3A_152 = arith.constant 0 : index
    %swap3A_153 = arith.constant 0 : index
    %swap3A_154 = vector.load %arg6[%swap3A_152, %swap3A_153] : memref<16x128xf32, #tpu.memory_space<vmem>>, vector<16x128xf32>
    tpu.vector_store %arg6[%swap3A_152, %swap3A_153], %reshape3A_151 {strides = array<i32>} : memref<16x128xf32, #tpu.memory_space<vmem>>, vector<16x128xf32>,
    %mul3A = arith.constant 512 : i32
    %mul3A_155 = vector.broadcast %mul3A : i32 to vector<2048x1xi32>
    %mul3A_156 = arith.muli %broadcast_in_dim3A_17, %mul3A_155 : vector<2048x1xi32>
    %convert_element_type3A_157 = arith.fptosi %broadcast_in_dim3A_114 : vector<2048x1xf32> to vector<2048x1xi32>
    %add3A_158 = arith.addi %mul3A_156, %convert_element_type3A_157 : vector<2048x1xi32>
    %jit3A_159 = arith.constant 4096 : i32
    %broadcast_in_dim3A_160 = vector.broadcast %jit3A_159 : i32 to vector<2048x1xi32>
    %select_n3A_161 = arith.select %lt3A_122, %add3A_158, %broadcast_in_dim3A_160 : vector<2048x1xi1>, vector<2048x1xi32>
    %mul3A_162 = arith.constant 512 : i32
    %mul3A_163 = vector.broadcast %mul3A_162 : i32 to vector<2048x1xi32>
    %mul3A_164 = arith.muli %broadcast_in_dim3A_36, %mul3A_163 : vector<2048x1xi32>
    %convert_element_type3A_165 = arith.fptosi %broadcast_in_dim3A_120 : vector<2048x1xf32> to vector<2048x1xi32>
    %add3A_166 = arith.addi %mul3A_164, %convert_element_type3A_165 : vector<2048x1xi32>
    %jit3A_167 = arith.constant 4096 : i32
    %broadcast_in_dim3A_168 = vector.broadcast %jit3A_167 : i32 to vector<2048x1xi32>
    %select_n3A_169 = arith.select %lt3A_125, %add3A_166, %broadcast_in_dim3A_168 : vector<2048x1xi1>, vector<2048x1xi32>
    %reshape3A_170 = vector.shape_cast %select_n3A_161 : vector<2048x1xi32> to vector<16x128xi32>
    %swap3A_171 = arith.constant 0 : index
    %swap3A_172 = arith.constant 0 : index
    %swap3A_173 = vector.load %arg3[%swap3A_171, %swap3A_172] : memref<16x128xi32, #tpu.memory_space<vmem>>, vector<16x128xi32>
    tpu.vector_store %arg3[%swap3A_171, %swap3A_172], %reshape3A_170 {strides = array<i32>} : memref<16x128xi32, #tpu.memory_space<vmem>>, vector<16x128xi32>,
    %reshape3A_174 = vector.shape_cast %select_n3A_169 : vector<2048x1xi32> to vector<16x128xi32>
    %swap3A_175 = arith.constant 0 : index
    %swap3A_176 = arith.constant 0 : index
    %swap3A_177 = vector.load %arg4[%swap3A_175, %swap3A_176] : memref<16x128xi32, #tpu.memory_space<vmem>>, vector<16x128xi32>
    tpu.vector_store %arg4[%swap3A_175, %swap3A_176], %reshape3A_174 {strides = array<i32>} : memref<16x128xi32, #tpu.memory_space<vmem>>, vector<16x128xi32>,
    %slice3A_178 = vector.extract_strided_slice %get3A_1 {offsets = [0, 0], sizes = [2048, 512], strides = [1, 1]} : vector<2048x1024xf32> to vector<2048x512xf32>
    %slice3A_179 = vector.extract_strided_slice %get3A_1 {offsets = [0, 512], sizes = [2048, 512], strides = [1, 1]} : vector<2048x1024xf32> to vector<2048x512xf32>
    %pack_elementwise3A = tpu.pack_elementwise %slice3A_178, %slice3A_179 {target_type = bf16} : vector<2048x512xf32>, vector<2048x512xf32> -> vector<2048x512xi32>
    %bitcast_convert_type3A = tpu.bitcast %pack_elementwise3A : vector<2048x512xi32> -> vector<2048x512xi32>
    %swap3A_180 = arith.constant 0 : index
    %swap3A_181 = arith.constant 0 : index
    %swap3A_182 = vector.load %arg7[%swap3A_180, %swap3A_181] : memref<2048x512xi32, #tpu.memory_space<vmem>>, vector<2048x512xi32>
    tpu.vector_store %arg7[%swap3A_180, %swap3A_181], %bitcast_convert_type3A {strides = array<i32>} : memref<2048x512xi32, #tpu.memory_space<vmem>>, vector<2048x512xi32>,
    return
  }
}

</mosaic_0001>

<sc_bundles>
// kernel: kernel.6.cloned.1.call-start
scs
__scs_entry_jumppad:
0x0: {  	(pc) =	sbr.rel $0x88, $3  }
0x1: {  	(tag) =	ssettag $0x0;
	lr =	simm.s32 $0x1  }
0x2: {  	[smem:$0x3F9C] =	sst lr;
	_ =	strace $0xD0000000  }
0x3: {  	_ = 	snop  }
0x4: {  	_ = 	snop  }
0x5: {  	_ = 	snop  }
0x6: {  	_ = 	snop  }
0x7: {  	_ = 	snop  }
__scs_overlays_trampoline_lowered:
0x8: {  	[smem:$0x3FAB] =	sst s0  }
0x9: {  	[smem:$0x3FAC] =	sst s1  }
0xa: {  	[smem:$0x3FAD] =	sst s2  }
0xb: {  	[smem:$0x3FAE] =	sst s3  }
0xc: {  	[smem:$0x3FAF] =	sst s4  }
0xd: {  	[smem:$0x3FB0] =	sst s5  }
0xe: {  	[smem:$0x3FB1] =	sst s6  }
0xf: {  	[smem:$0x3FB2] =	sst s7  }
0x10: {  	[smem:$0x3FB3] =	sst s8  }
0x11: {  	[smem:$0x3FB4] =	sst s9;
	s0 =	simm.s32 @!p0 $0x0  }
0x12: {  	s1 =	sld [smem:$0x3F9A];
	s0 =	simm.s32 @p0 $0x1  }
0x13: {  	[smem:$0x3FB5] =	sst s0;
	s0 =	simm.s32 @!p1 $0x0  }
0x14: {  	s2 =	sld [smem:$0x3F99];
	s0 =	simm.s32 @p1 $0x1  }
0x15: {  	[smem:$0x3FB6] =	sst s0;
	s0 =	simm.s32 @!p2 $0x0  }
0x16: {  	s3 =	sld [smem:$0x3FDB];
	s0 =	simm.s32 @p2 $0x1  }
0x17: {  	s4 =	simm.s32 $0x1BF5;
	[smem:$0x3FB8] =	sst s0  }
0x18: {  	s0 =	sld [smem:$0x3F9B];
	_ =	swait.ge [sflag:s4], $0x0  }
0x19: {  	s7 =	sld [smem:$0x3F9C]  }
0x1a: {  	s8 =	sadd.s32 $0xFFFFE003, lr  }
0x1b: {  	s9 =	sadd.s32 $0xFFFFFEF7, lr;
	s5 =	simm.s32 $0xFFFFFFFF;
	p2 =	slt.u32 s8, $0xFFFFF086  }
0x1c: {  	p1 =	slt.u32 s9, $0xF7A;
	s5 =	simm.s32 @!p2 $0x0  }
0x1d: {  	s5 =	simm.s32 @p1 $0x1;
	p0 =	seq.s32 s7, s2  }
0x1e: {  	s7 =	smul.u32 @!p0 $0xF7A, s2;
	p2 =	seq.s32 @!p0 s5, $0x0  }
0x1f: {  	s9 =	smul.u32 $0xF7A, s1;
	s8 =	simm.s32 @!p0 $0x1BF5;
	p2 =	por !p2, p0  }
0x20: {  	[sflag:s8] =	ssyncset.s32 @!p0 $0xFFFFF086;
	s6 =	sadd.s32 @!p0 s3, s7;
	s7 =	simm.s32 @!p0 $0x108  }
0x21: {  	s3 =	sadd.s32 s3, s9;
	s6 =	sadd.s32 @!p0 $0x88, s6;
	s7 =	simm.s32 @p2 $0x1082  }
0x22: {  	[simem:s7], [sflag:s8] =	dma.local @!p0 [hbm:s6], $0xF7A  }
0x23: {  	s9 =	sor.u32 $0xD0000000, s2;
	s6 =	simm.s32 $0x108;
	_ =	swait.ge @!p0 [sflag:s8], $0x0  }
0x24: {  	s3 =	sadd.s32 $0x88, s3;
	s6 =	simm.s32 @!p1 $0x1082;
	[sflag:s4] =	ssyncset.s32 $0xFFFFF086  }
0x25: {  	[simem:s6], [sflag:s4] =	dma.local [hbm:s3], $0xF7A  }
0x26: {  	[smem:$0x3F9C] =	sst s1;
	(tag) =	ssettag s2;
	_ =	strace s9  }
0x27: {  	s1 =	sld [smem:$0x3FAC]  }
0x28: {  	s2 =	sld [smem:$0x3FAD]  }
0x29: {  	s4 =	sld [smem:$0x3FAF]  }
0x2a: {  	p0 =	seq.s32 s5, $0x0;
	s5 =	sld [smem:$0x3FB0]  }
0x2b: {  	s6 =	sld [smem:$0x3FB1]  }
0x2c: {  	s7 =	sld [smem:$0x3FB2]  }
0x2d: {  	s3 =	simm.s32 $0x108;
	s8 =	sld [smem:$0x3FB3]  }
0x2e: {  	s3 =	simm.s32 @!p0 $0x1082;
	s9 =	sld [smem:$0x3FB4]  }
0x2f: {  	lr =	sadd.s32 s0, s3;
	s0 =	sld [smem:$0x3FAB]  }
0x30: {  	s3 =	sld [smem:$0x3FAE]  }
0x31: {  	[smem:$0x3FB7] =	sst s10  }
0x32: {  	s10 =	sld [smem:$0x3FB5];
	_ =	sdelay $0x3  }
0x33: {  	p0 =	seq.s32 s10, $0x1;
	s10 =	sld [smem:$0x3FB7];
	_ =	sdelay $0x3  }
0x34: {  	[smem:$0x3FB7] =	sst s10  }
0x35: {  	s10 =	sld [smem:$0x3FB6];
	_ =	sdelay $0x3  }
0x36: {  	p1 =	seq.s32 s10, $0x1;
	s10 =	sld [smem:$0x3FB7];
	_ =	sdelay $0x3  }
0x37: {  	[smem:$0x3FB7] =	sst s10  }
0x38: {  	s10 =	sld [smem:$0x3FB8]  }
0x39: {  	_ = 	snop;
	(pc) =	sbr.ind lr, $3  }
0x3a: {  	_ = 	snop  }
0x3b: {  	_ = 	snop  }
0x3c: {  	p2 =	seq.s32 s10, $0x1;
	s10 =	sld [smem:$0x3FB7]  }
0x3d: {  	_ =	shalt  }
0x3e: {  	_ =	shalt  }
0x3f: {  	_ =	shalt  }
0x40: {  	_ =	shalt  }
0x41: {  	_ =	shalt  }
0x42: {  	_ =	shalt  }
0x43: {  	_ =	shalt  }
0x44: {  	_ =	shalt  }
0x45: {  	_ =	shalt  }
0x46: {  	_ =	shalt  }
0x47: {  	_ =	shalt  }
0x48: {  	_ =	shalt  }
0x49: {  	_ =	shalt  }
0x4a: {  	_ =	shalt  }
0x4b: {  	_ =	shalt  }
0x4c: {  	_ =	shalt  }
0x4d: {  	_ =	shalt  }
0x4e: {  	_ =	shalt  }
0x4f: {  	_ =	shalt  }
0x50: {  	_ =	shalt  }
0x51: {  	_ =	shalt  }
0x52: {  	_ =	shalt  }
0x53: {  	_ =	shalt  }
0x54: {  	_ =	shalt  }
0x55: {  	_ =	shalt  }
0x56: {  	_ =	shalt  }
0x57: {  	_ =	shalt  }
0x58: {  	_ =	shalt  }
0x59: {  	_ =	shalt  }
0x5a: {  	_ =	shalt  }
0x5b: {  	_ =	shalt  }
0x5c: {  	_ =	shalt  }
0x5d: {  	_ =	shalt  }
0x5e: {  	_ =	shalt  }
0x5f: {  	_ =	shalt  }
0x60: {  	_ =	shalt  }
0x61: {  	_ =	shalt  }
0x62: {  	_ =	shalt  }
0x63: {  	_ =	shalt  }
0x64: {  	_ =	shalt  }
0x65: {  	_ =	shalt  }
0x66: {  	_ =	shalt  }
0x67: {  	_ =	shalt  }
0x68: {  	_ =	shalt  }
0x69: {  	_ =	shalt  }
0x6a: {  	_ =	shalt  }
0x6b: {  	_ =	shalt  }
0x6c: {  	_ =	shalt  }
0x6d: {  	_ =	shalt  }
0x6e: {  	_ =	shalt  }
0x6f: {  	_ =	shalt  }
0x70: {  	_ =	shalt  }
0x71: {  	_ =	shalt  }
0x72: {  	_ =	shalt  }
0x73: {  	_ =	shalt  }
0x74: {  	_ =	shalt  }
0x75: {  	_ =	shalt  }
0x76: {  	_ =	shalt  }
0x77: {  	_ =	shalt  }
0x78: {  	_ =	shalt  }
0x79: {  	_ =	shalt  }
0x7a: {  	_ =	shalt  }
0x7b: {  	_ =	shalt  }
0x7c: {  	_ =	shalt  }
0x7d: {  	_ =	shalt  }
0x7e: {  	_ =	shalt  }
0x7f: {  	_ =	shalt  }
0x80: {  	_ =	shalt  }
0x81: {  	_ =	shalt  }
0x82: {  	_ =	shalt  }
0x83: {  	_ =	shalt  }
0x84: {  	_ =	shalt  }
0x85: {  	_ =	shalt  }
0x86: {  	_ =	shalt  }
0x87: {  	_ =	shalt  }
.Lfunc_end0:
.L_simem_size_0:
called_computation_lowered:
.L_overlay_start_0:
0x88: {  	s2 =	sld [smem:$0x3FD9]  }
0x89: {  	s3 =	sld [smem:$0x3FFE];
	_ =	sdelay $0x1  }
0x8a: {  	s1 =	srdreg.scid  }
0x8b: {  	s0 =	sand.u32 $0x1, s1  }
0x8c: {  	s17 =	sshll.u32 s0, $0xA;
	s2 =	sadd.s32 s3, s2  }
0x8d: {  	s2 =	sadd.s32 s2, s17  }
0x8e: {  	[smem:$0x3FC3] =	sst s2  }
0x8f: {  	_ = 	snop  }
0x90: {  	s2 =	sld [smem:$0x3FD0];
	(tm) =	ssettm $0x1  }
0x91: {  	s18 =	sld [smem:$0x3FFB];
	_ =	sdelay $0x3  }
0x92: {  	_ =	strace s18  }
0x93: {  	s3 =	sld [smem:$0x3FFC];
	_ =	sdelay $0x3  }
0x94: {  	_ =	strace s3  }
0x95: {  	s3 =	sld [smem:$0x3FFD];
	_ =	sdelay $0x3  }
0x96: {  	_ =	strace s3  }
0x97: {  	_ =	strace $0x8FFFFFFF  }
0x98: {  	s19 =	sld [smem:$0x3FDB];
	_ =	sdelay $0x1  }
0x99: {  	s4 =	simm.s32 $_scs_section_size  }
0x9a: {  	s5 =	simm.s32 $_size__tile_overlayer_lowered;
	s6 =	simm.s32 $_tile_overlayer_lowered  }
0x9b: {  	s22 =	simm.s32 $0x1BFF;
	s21 =	sshll.u32 s6, $0x1;
	s3 =	sadd.s32 s4, s19  }
0x9c: {  	s7 =	simm.s32 $0x0;
	s20 =	sshll.u32 s5, $0x1;
	s5 =	sadd.s32 s21, s3  }
0x9d: {  	[timem:s7], [sflag:s22] =	dma.local [hbm:s5], s20  }
0x9e: {  	_ =	swait.ge [sflag:s22], s20  }
0x9f: {  	s4 =	ssub.s32 $0x0, s20;
	[sflag:s22] =	ssyncset.done $0x0  }
0xa0: {  	[sflag:s22] =	ssyncadd.s32 s4;
	_ =	sdelay $0x1  }
0xa1: {  	s23 =	simm.s32 $0x1B8B  }
0xa2: {  	_ =	swait.ge [sflag:s23], $0x1  }
0xa3: {  	[sflag:s23] =	ssyncset.done $0x0  }
0xa4: {  	s25 =	simm.s32 $0x1B8E;
	s24 =	sld [smem:$0x3FFE];
	[sflag:s23] =	ssyncadd.s32 $0xFFFFFFFF  }
0xa5: {  	s26 =	simm.s32 $execute0_lowered;
	[smem:$0x3FD2] =	sst s25  }
0xa6: {  	s5 =	sshll.u32 s26, $0x1;
	_ =	strace $0x80000046;
	[dreg:$0x1] =	wrdreg $0xFFFFFFFF  }
0xa7: {  	s28 =	simm.s32 $_size_execute0_lowered;
	s3 =	sadd.s32 s3, s5;
	[dreg:$0x0] =	wrdreg $0x0  }
0xa8: {  	s5 =	sshll.u32 s28, $0x1;
	[dreg:$0x2] =	wrdreg s3  }
0xa9: {  	[dreg:$0x3] =	wrdreg s5  }
0xaa: {  	[dreg:$0x4] =	wrdreg $0xC0  }
0xab: {  	_ =	task [dreg:s7], $0x5FFFF  }
0xac: {  	[dreg:$0x1] =	wrdreg $0xFFFFFFFF  }
0xad: {  	[dreg:$0x0] =	wrdreg $0x60  }
0xae: {  	[dreg:$0x2] =	wrdreg s24  }
0xaf: {  	[dreg:$0x3] =	wrdreg s2  }
0xb0: {  	[dreg:$0x4] =	wrdreg $0x9  }
0xb1: {  	_ =	task.clear_ibuf [dreg:s7], $0x5FFFF;
	_ =	strace $0x90000046  }
0xb2: {  	s29 =	simm.s32 $0x9;
	_ =	strace $0x80000048  }
0xb3: {  	_ =	swait.ge [sflag:s29], $0x1  }
0xb4: {  	[sflag:s29] =	ssyncadd.s32 $0xFFFFFFFF  }
0xb5: {  	_ =	strace $0x90000048  }
0xb6: {  	_ =	sfence  }
0xb7: {  	s30 =	sld [smem:$0x0];
	_ =	sdelay $0x2  }
0xb8: {  	s31 =	sshll.u32 s1, $0xD;
	s1 =	sshrl.u32 s1, $0x2  }
0xb9: {  	s3 =	sand.u32 $0x4000, s31;
	s1 =	sadd.s32 s1, s30  }
0xba: {  	s0 =	sor.u32 s3, s0;
	s1 =	sshll.u32 s1, $0x11  }
0xbb: {  	s0 =	sor.u32 s1, s0  }
0xbc: {  	s0 =	sadd.s32 $0x8F2B, s0  }
0xbd: {  	[sflag:s0] =	ssyncadd.remote.s32 $0x1  }
0xbe: {  	_ =	sfence.sel $0xFFFF  }
0xbf: {  	[dreg:$0x0] =	wrdreg $0xFFFFFFFF;
	(pc) =	sbr.abs _section_cstart, $3  }
0xc0: {  	[dreg:$0x1] =	wrdreg $0xFFFFFFFF  }
0xc1: {  	_ =	task.clear_ibuf [dreg:s7], $0x2FFFF;
	_ =	strace $0x9FFFFFFF  }
0xc2: {  	(tm) =	ssettm $0x7FFFFFFF  }
0xc3: {  	_ =	shalt  }
tec
execute0_lowered:
.L_overlay_start_1:
0x0: {  	(tag) =	ssettag $0x1  }
0x1: {  	s0 =	rddreg [dreg:$0x0]  }
0x2: {  	s1 =	rddreg [dreg:$0x1];
	s2 =	simm.s32 $0x0  }
0x3: {  	s3 =	srdreg.scid;
	s8 =	stileid.u32;
	s25 =	simm.s32 $0x1  }
0x4: {  	s26 =	simm.s32 $0x2;
	s28 =	simm.s32 $0x2000;
	s29 =	simm.s32 $0x4280  }
0x5: {  	s31 =	simm.s32 $0xC280;
	s23 =	simm.s32 $0x3080;
	s24 =	simm.s32 $0x3  }
0x6: {  	s30 =	simm.s32 $0x0;
	[smem:$0x7FF] =	sst s2;
	s4 =	sadd.s32 $0x2800, s0  }
0x7: {  	s5 =	sadd.s32 $0x2A00, s0;
	s6 =	sadd.s32 $0x2400, s0;
	s7 =	sadd.s32 $0x2600, s0  }
0x8: {  	s3 =	sand.u32 $0x1, s3;
	s8 =	sshll.u32 s8, $0x1;
	s12 =	sadd.s32 $0x2C00, s0  }
0x9: {  	_ =	strace $0x80000047;
	s15 =	sor.u32 s3, s8;
	s3 =	ssub.s32 $0x2, s3  }
0xa: {  	s9 =	sshll.u32 s15, $0x4;
	s10 =	sshrl.u32 s3, $0x1;
	s8 =	sshll.u32 s15, $0x7  }
0xb: {  	s11 =	sshll.u32 s15, $0xD;
	p0 =	sne.s32 s15, $0x0;
	s13 =	sadd.s32 s9, s0  }
0xc: {  	s3 =	ssub.s32 s3, s10;
	s9 =	sor.u32 $0x40, s8;
	s10 =	sadd.s32 $0x100, s1  }
.Ltmp0:
0xd: {  	s11 =	sadd.s32 s12, s11;
	s0 =	sadd.s32 $0x4AE00, s0;
	(pc) =	sbr.rel .LBB2_1-.Ltmp0, $4  }
0xe: {  	s17 =	sor.u32 $0x10, s8;
	s18 =	sor.u32 $0x20, s8;
	s19 =	sor.u32 $0x30, s8  }
0xf: {  	v0 =	vimm.s32 $0x0;
	v1 =	vlaneseq.u32;
	s20 =	sor.u32 $0x50, s8;
	s21 =	sor.u32 $0x60, s8;
	s22 =	sor.u32 $0x70, s8  }
0x10: {  	v2 =	vimm.f32 $0.0e+00;
	vm0 =	vmmov $0xffff;
	v4 =	vshrl.u32 v1, $0x3;
	s14 =	sshll.u32 s9, $0x6;
	s13 =	sadd.s32 $0x4AC00, s13;
	[dreg:$0x3] =	wrdreg s0  }
0x11: {  	v3 =	vand.u32 $0x7, v1;
	v5 =	vor.u32 $0x8, v1;
	v4 =	vmul.u32 $0x8, v4;
	s16 =	smax.u32 s3, $0x1;
	s12 =	sadd.s32 s12, s14;
	s14 =	sadd.s32 $0x3080, s8  }
.LBB2_8:
0x12: {  	[tilespmem:s3+$0x4080] =	vst v2;
	s0 =	rddreg [dreg:$0x3];
	s15 =	simm.s32 $0x4080  }
0x13: {  	[hbm4b:s0+s2] =	stream.linear.scatter [tilespmem:s15], [sflag:$0x3], $0x200, $0x38;
	[tilespmem:$0x14280] =	vst v63  }
0x14: {  	_ =	swait.ge [sflag:s24], $0x200  }
0x15: {  	[sflag:s24] =	ssyncset.done $0x0  }
0x16: {  	[sflag:s24] =	ssyncadd.s32 $0xFFFFFE00  }
.LBB2_9:
0x17: {  	s30 =	sadd.s32 $0x1, s30  }
0x18: {  	_ =	swait.ge [sflag:s25], $0x8000;
	p1 =	sne.s32 s30, s16  }
.Ltmp1:
0x19: {  	[sflag:s25] =	ssyncset.done $0x0;
	(pc) =	sbr.rel @!p1 .LBB2_10-.Ltmp1, $4  }
0x1a: {  	[sflag:s25] =	ssyncadd.s32 $0xFFFF8000  }
0x1b: {  	_ =	swait.ge [sflag:s26], $0x8000  }
0x1c: {  	[sflag:s26] =	ssyncset.done $0x0  }
0x1d: {  	[sflag:s26] =	ssyncadd.s32 $0xFFFF8000  }
.LBB2_1:
0x1e: {  	[tilespmem:s2], [sflag:$0x1] =	stream.linear.gather [hbm4b:s4+s2], $0x800, $0x38;
	[tilespmem:$0x14280] =	vst v63  }
0x1f: {  	s0 =	simm.s32 $0x800  }
0x20: {  	[tilespmem:s0], [sflag:$0x2] =	stream.linear.gather [hbm4b:s5+s2], $0x800, $0x38;
	[tilespmem:$0x14280] =	vst v63  }
0x21: {  	s3 =	simm.s32 $0x1000  }
0x22: {  	[tilespmem:s3], [sflag:$0x1] =	stream.linear.gather [hbm4b:s6+s2], $0x800, $0x38;
	[tilespmem:$0x14280] =	vst v63  }
0x23: {  	s15 =	simm.s32 $0x1800  }
0x24: {  	[tilespmem:s15], [sflag:$0x2] =	stream.linear.gather [hbm4b:s7+s2], $0x800, $0x38;
	[tilespmem:$0x14280] =	vst v63  }
0x25: {  	_ =	swait.ge [sflag:s25], $0x800  }
0x26: {  	[sflag:s25] =	ssyncset.done $0x0  }
0x27: {  	[sflag:s25] =	ssyncadd.s32 $0xFFFFF800  }
0x28: {  	_ =	swait.ge [sflag:s26], $0x800  }
0x29: {  	[sflag:s26] =	ssyncset.done $0x0  }
0x2a: {  	[sflag:s26] =	ssyncadd.s32 $0xFFFFF800  }
0x2b: {  	_ =	swait.ge [sflag:s25], $0x800  }
0x2c: {  	[sflag:s25] =	ssyncset.done $0x0  }
0x2d: {  	[sflag:s25] =	ssyncadd.s32 $0xFFFFF800  }
0x2e: {  	_ =	swait.ge [sflag:s26], $0x800  }
0x2f: {  	[sflag:s26] =	ssyncset.done $0x0  }
0x30: {  	[sflag:s26] =	ssyncadd.s32 $0xFFFFF800  }
0x31: {  	[tilespmem:s8+$0x2000] =	vst v0  }
0x32: {  	[tilespmem:s8+$0x3080] =	vst v2  }
0x33: {  	[tilespmem:s17+$0x2000] =	vst v0  }
0x34: {  	[tilespmem:s17+$0x3080] =	vst v2  }
0x35: {  	[tilespmem:s18+$0x2000] =	vst v0  }
0x36: {  	[tilespmem:s18+$0x3080] =	vst v2  }
0x37: {  	[tilespmem:s19+$0x2000] =	vst v0  }
0x38: {  	[tilespmem:s19+$0x3080] =	vst v2  }
0x39: {  	[tilespmem:s9+$0x2000] =	vst v0  }
0x3a: {  	[tilespmem:s9+$0x3080] =	vst v2  }
0x3b: {  	[tilespmem:s20+$0x2000] =	vst v0  }
0x3c: {  	[tilespmem:s20+$0x3080] =	vst v2  }
0x3d: {  	[tilespmem:s21+$0x2000] =	vst v0  }
0x3e: {  	[tilespmem:s21+$0x3080] =	vst v2  }
0x3f: {  	[tilespmem:s22+$0x2000] =	vst v0  }
0x40: {  	s3 =	simm.s32 $0x0;
	s15 =	simm.s32 $0x0;
	[tilespmem:s22+$0x3080] =	vst v2  }
.LBB2_2:
0x41: {  	v6 =	vld [tilespmem:s3+$0x0];
	_ =	sdelay $0x6  }
0x42: {  	v7 =	vor.u32 s15, v1  }
0x43: {  	[tilespmem:v6+s28+$0x0] =	vst.idx.msk $0xffff, v7  }
0x44: {  	v6 =	vld [tilespmem:s0+$0x0];
	_ =	sdelay $0x2  }
0x45: {  	p1 =	sne.s32 s15, $0x7F0  }
.Ltmp2:
0x46: {  	_ = 	snop;
	(pc) =	sbr.rel @p1 .LBB2_2-.Ltmp2, $2  }
0x47: {  	_ =	sdelay $0x2  }
0x48: {  	s3 =	sadd.s32 $0x10, s3;
	s15 =	sadd.s32 $0x10, s15;
	s0 =	sadd.s32 $0x10, s0;
	[tilespmem:v6+s28+$0x0] =	vst.idx.msk $0xffff, v7  }
0x49: {  	v6 =	vld [tilespmem:s8+$0x2000];
	_ =	sdelay $0x4  }
0x4a: {  	v7 =	vshll.u32 v6, $0x2  }
0x4b: {  	v6 =	vand.u32 $0x7, v6;
	v7 =	vand.u32 $0xFFFFFFE0, v7  }
0x4c: {  	v6 =	vor.u32 v6, v7  }
0x4d: {  	v7 =	vperm.xlane v6, v3;
	_ =	sdelay $0x1  }
0x4e: {  	v7 =	vadd.s32 v4, v7;
	_ =	sdelay $0x1  }
0x4f: {  	v6 =	vperm.xlane v6, v5;
	_ =	sdelay $0x1  }
0x50: {  	s0 =	simm.s32 $0x0;
	v6 =	vadd.s32 v4, v6  }
0x51: {  	[tilespmem:s29], [sflag:$0x1] =	stream.indirect_vreg.gather [hbm4b:s1+s0], $0x80, v7, vm0, $0xb8;
	[tilespmem:$0x14280] =	vst v63  }
0x52: {  	s3 =	simm.s32 $0x4A80  }
0x53: {  	[tilespmem:s3], [sflag:$0x1] =	stream.indirect_vreg.gather [hbm4b:s10+s0], $0x80, v7, vm0, $0xb8;
	[tilespmem:$0x14280] =	vst v63  }
0x54: {  	s15 =	simm.s32 $0x5280  }
0x55: {  	[tilespmem:s15], [sflag:$0x1] =	stream.indirect_vreg.gather [hbm4b:s1+s0], $0x80, v6, vm0, $0xb8;
	[tilespmem:$0x14280] =	vst v63  }
0x56: {  	s15 =	simm.s32 $0x5A80  }
0x57: {  	[tilespmem:s15], [sflag:$0x1] =	stream.indirect_vreg.gather [hbm4b:s10+s0], $0x80, v6, vm0, $0xb8;
	[tilespmem:$0x14280] =	vst v63  }
0x58: {  	v6 =	vld [tilespmem:s8+$0x2010];
	_ =	sdelay $0x4  }
0x59: {  	v7 =	vshll.u32 v6, $0x2  }
0x5a: {  	v6 =	vand.u32 $0x7, v6;
	v7 =	vand.u32 $0xFFFFFFE0, v7  }
0x5b: {  	v6 =	vor.u32 v6, v7  }
0x5c: {  	v7 =	vperm.xlane v6, v3;
	_ =	sdelay $0x1  }
0x5d: {  	v7 =	vadd.s32 v4, v7;
	_ =	sdelay $0x1  }
0x5e: {  	v6 =	vperm.xlane v6, v5;
	_ =	sdelay $0x1  }
0x5f: {  	s15 =	simm.s32 $0x6280;
	v6 =	vadd.s32 v4, v6  }
0x60: {  	[tilespmem:s15], [sflag:$0x1] =	stream.indirect_vreg.gather [hbm4b:s1+s0], $0x80, v7, vm0, $0xb8;
	[tilespmem:$0x14280] =	vst v63  }
0x61: {  	s15 =	simm.s32 $0x6A80  }
0x62: {  	[tilespmem:s15], [sflag:$0x1] =	stream.indirect_vreg.gather [hbm4b:s10+s0], $0x80, v7, vm0, $0xb8;
	[tilespmem:$0x14280] =	vst v63  }
0x63: {  	s15 =	simm.s32 $0x7280  }
0x64: {  	[tilespmem:s15], [sflag:$0x1] =	stream.indirect_vreg.gather [hbm4b:s1+s0], $0x80, v6, vm0, $0xb8;
	[tilespmem:$0x14280] =	vst v63  }
0x65: {  	s15 =	simm.s32 $0x7A80  }
0x66: {  	[tilespmem:s15], [sflag:$0x1] =	stream.indirect_vreg.gather [hbm4b:s10+s0], $0x80, v6, vm0, $0xb8;
	[tilespmem:$0x14280] =	vst v63  }
0x67: {  	v6 =	vld [tilespmem:s8+$0x2020];
	_ =	sdelay $0x4  }
0x68: {  	v7 =	vshll.u32 v6, $0x2  }
0x69: {  	v6 =	vand.u32 $0x7, v6;
	v7 =	vand.u32 $0xFFFFFFE0, v7  }
0x6a: {  	v6 =	vor.u32 v6, v7  }
0x6b: {  	v7 =	vperm.xlane v6, v3;
	_ =	sdelay $0x1  }
0x6c: {  	v7 =	vadd.s32 v4, v7;
	_ =	sdelay $0x1  }
0x6d: {  	v6 =	vperm.xlane v6, v5;
	_ =	sdelay $0x1  }
0x6e: {  	s15 =	simm.s32 $0x8280;
	v6 =	vadd.s32 v4, v6  }
0x6f: {  	[tilespmem:s15], [sflag:$0x1] =	stream.indirect_vreg.gather [hbm4b:s1+s0], $0x80, v7, vm0, $0xb8;
	[tilespmem:$0x14280] =	vst v63  }
0x70: {  	s15 =	simm.s32 $0x8A80  }
0x71: {  	[tilespmem:s15], [sflag:$0x1] =	stream.indirect_vreg.gather [hbm4b:s10+s0], $0x80, v7, vm0, $0xb8;
	[tilespmem:$0x14280] =	vst v63  }
0x72: {  	s15 =	simm.s32 $0x9280  }
0x73: {  	[tilespmem:s15], [sflag:$0x1] =	stream.indirect_vreg.gather [hbm4b:s1+s0], $0x80, v6, vm0, $0xb8;
	[tilespmem:$0x14280] =	vst v63  }
0x74: {  	s15 =	simm.s32 $0x9A80  }
0x75: {  	[tilespmem:s15], [sflag:$0x1] =	stream.indirect_vreg.gather [hbm4b:s10+s0], $0x80, v6, vm0, $0xb8;
	[tilespmem:$0x14280] =	vst v63  }
0x76: {  	v6 =	vld [tilespmem:s8+$0x2030];
	_ =	sdelay $0x4  }
0x77: {  	v7 =	vshll.u32 v6, $0x2  }
0x78: {  	v6 =	vand.u32 $0x7, v6;
	v7 =	vand.u32 $0xFFFFFFE0, v7  }
0x79: {  	v6 =	vor.u32 v6, v7  }
0x7a: {  	v7 =	vperm.xlane v6, v3;
	_ =	sdelay $0x1  }
0x7b: {  	v7 =	vadd.s32 v4, v7;
	_ =	sdelay $0x1  }
0x7c: {  	v6 =	vperm.xlane v6, v5;
	_ =	sdelay $0x1  }
0x7d: {  	s15 =	simm.s32 $0xA280;
	v6 =	vadd.s32 v4, v6  }
0x7e: {  	[tilespmem:s15], [sflag:$0x1] =	stream.indirect_vreg.gather [hbm4b:s1+s0], $0x80, v7, vm0, $0xb8;
	[tilespmem:$0x14280] =	vst v63  }
0x7f: {  	s15 =	simm.s32 $0xAA80  }
0x80: {  	[tilespmem:s15], [sflag:$0x1] =	stream.indirect_vreg.gather [hbm4b:s10+s0], $0x80, v7, vm0, $0xb8;
	[tilespmem:$0x14280] =	vst v63  }
0x81: {  	s15 =	simm.s32 $0xB280  }
0x82: {  	[tilespmem:s15], [sflag:$0x1] =	stream.indirect_vreg.gather [hbm4b:s1+s0], $0x80, v6, vm0, $0xb8;
	[tilespmem:$0x14280] =	vst v63  }
0x83: {  	s15 =	simm.s32 $0xBA80  }
0x84: {  	[tilespmem:s15], [sflag:$0x1] =	stream.indirect_vreg.gather [hbm4b:s10+s0], $0x80, v6, vm0, $0xb8;
	[tilespmem:$0x14280] =	vst v63  }
0x85: {  	v6 =	vld [tilespmem:s9+$0x2000];
	_ =	sdelay $0x4  }
0x86: {  	v7 =	vshll.u32 v6, $0x2  }
0x87: {  	v6 =	vand.u32 $0x7, v6;
	v7 =	vand.u32 $0xFFFFFFE0, v7  }
0x88: {  	v6 =	vor.u32 v6, v7  }
0x89: {  	v7 =	vperm.xlane v6, v3;
	_ =	sdelay $0x1  }
0x8a: {  	v7 =	vadd.s32 v4, v7;
	_ =	sdelay $0x1  }
0x8b: {  	v6 =	vperm.xlane v6, v5;
	_ =	sdelay $0x1  }
0x8c: {  	v6 =	vadd.s32 v4, v6  }
0x8d: {  	[tilespmem:s31], [sflag:$0x2] =	stream.indirect_vreg.gather [hbm4b:s1+s0], $0x80, v7, vm0, $0xb8;
	[tilespmem:$0x14280] =	vst v63  }
0x8e: {  	s15 =	simm.s32 $0xCA80  }
0x8f: {  	[tilespmem:s15], [sflag:$0x2] =	stream.indirect_vreg.gather [hbm4b:s10+s0], $0x80, v7, vm0, $0xb8;
	[tilespmem:$0x14280] =	vst v63  }
0x90: {  	s15 =	simm.s32 $0xD280  }
0x91: {  	[tilespmem:s15], [sflag:$0x2] =	stream.indirect_vreg.gather [hbm4b:s1+s0], $0x80, v6, vm0, $0xb8;
	[tilespmem:$0x14280] =	vst v63  }
0x92: {  	s15 =	simm.s32 $0xDA80  }
0x93: {  	[tilespmem:s15], [sflag:$0x2] =	stream.indirect_vreg.gather [hbm4b:s10+s0], $0x80, v6, vm0, $0xb8;
	[tilespmem:$0x14280] =	vst v63  }
0x94: {  	v6 =	vld [tilespmem:s9+$0x2010];
	_ =	sdelay $0x4  }
0x95: {  	v7 =	vshll.u32 v6, $0x2  }
0x96: {  	v6 =	vand.u32 $0x7, v6;
	v7 =	vand.u32 $0xFFFFFFE0, v7  }
0x97: {  	v6 =	vor.u32 v6, v7  }
0x98: {  	v7 =	vperm.xlane v6, v3;
	_ =	sdelay $0x1  }
0x99: {  	v7 =	vadd.s32 v4, v7;
	_ =	sdelay $0x1  }
0x9a: {  	v6 =	vperm.xlane v6, v5;
	_ =	sdelay $0x1  }
0x9b: {  	s15 =	simm.s32 $0xE280;
	v6 =	vadd.s32 v4, v6  }
0x9c: {  	[tilespmem:s15], [sflag:$0x2] =	stream.indirect_vreg.gather [hbm4b:s1+s0], $0x80, v7, vm0, $0xb8;
	[tilespmem:$0x14280] =	vst v63  }
0x9d: {  	s15 =	simm.s32 $0xEA80  }
0x9e: {  	[tilespmem:s15], [sflag:$0x2] =	stream.indirect_vreg.gather [hbm4b:s10+s0], $0x80, v7, vm0, $0xb8;
	[tilespmem:$0x14280] =	vst v63  }
0x9f: {  	s15 =	simm.s32 $0xF280  }
0xa0: {  	[tilespmem:s15], [sflag:$0x2] =	stream.indirect_vreg.gather [hbm4b:s1+s0], $0x80, v6, vm0, $0xb8;
	[tilespmem:$0x14280] =	vst v63  }
0xa1: {  	s15 =	simm.s32 $0xFA80  }
0xa2: {  	[tilespmem:s15], [sflag:$0x2] =	stream.indirect_vreg.gather [hbm4b:s10+s0], $0x80, v6, vm0, $0xb8;
	[tilespmem:$0x14280] =	vst v63  }
0xa3: {  	v6 =	vld [tilespmem:s9+$0x2020];
	_ =	sdelay $0x4  }
0xa4: {  	v7 =	vshll.u32 v6, $0x2  }
0xa5: {  	v6 =	vand.u32 $0x7, v6;
	v7 =	vand.u32 $0xFFFFFFE0, v7  }
0xa6: {  	v6 =	vor.u32 v6, v7  }
0xa7: {  	v7 =	vperm.xlane v6, v3;
	_ =	sdelay $0x1  }
0xa8: {  	v7 =	vadd.s32 v4, v7;
	_ =	sdelay $0x1  }
0xa9: {  	v6 =	vperm.xlane v6, v5;
	_ =	sdelay $0x1  }
0xaa: {  	s15 =	simm.s32 $0x10280;
	v6 =	vadd.s32 v4, v6  }
0xab: {  	[tilespmem:s15], [sflag:$0x2] =	stream.indirect_vreg.gather [hbm4b:s1+s0], $0x80, v7, vm0, $0xb8;
	[tilespmem:$0x14280] =	vst v63  }
0xac: {  	s15 =	simm.s32 $0x10A80  }
0xad: {  	[tilespmem:s15], [sflag:$0x2] =	stream.indirect_vreg.gather [hbm4b:s10+s0], $0x80, v7, vm0, $0xb8;
	[tilespmem:$0x14280] =	vst v63  }
0xae: {  	s15 =	simm.s32 $0x11280  }
0xaf: {  	[tilespmem:s15], [sflag:$0x2] =	stream.indirect_vreg.gather [hbm4b:s1+s0], $0x80, v6, vm0, $0xb8;
	[tilespmem:$0x14280] =	vst v63  }
0xb0: {  	s15 =	simm.s32 $0x11A80  }
0xb1: {  	[tilespmem:s15], [sflag:$0x2] =	stream.indirect_vreg.gather [hbm4b:s10+s0], $0x80, v6, vm0, $0xb8;
	[tilespmem:$0x14280] =	vst v63  }
0xb2: {  	v6 =	vld [tilespmem:s9+$0x2030];
	_ =	sdelay $0x4  }
0xb3: {  	v7 =	vshll.u32 v6, $0x2  }
0xb4: {  	v6 =	vand.u32 $0x7, v6;
	v7 =	vand.u32 $0xFFFFFFE0, v7  }
0xb5: {  	v6 =	vor.u32 v6, v7  }
0xb6: {  	v7 =	vperm.xlane v6, v3;
	_ =	sdelay $0x1  }
0xb7: {  	v7 =	vadd.s32 v4, v7;
	_ =	sdelay $0x1  }
0xb8: {  	v6 =	vperm.xlane v6, v5;
	_ =	sdelay $0x1  }
0xb9: {  	s15 =	simm.s32 $0x12280;
	v6 =	vadd.s32 v4, v6  }
0xba: {  	[tilespmem:s15], [sflag:$0x2] =	stream.indirect_vreg.gather [hbm4b:s1+s0], $0x80, v7, vm0, $0xb8;
	[tilespmem:$0x14280] =	vst v63  }
0xbb: {  	s15 =	simm.s32 $0x12A80  }
0xbc: {  	[tilespmem:s15], [sflag:$0x2] =	stream.indirect_vreg.gather [hbm4b:s10+s0], $0x80, v7, vm0, $0xb8;
	[tilespmem:$0x14280] =	vst v63  }
0xbd: {  	s15 =	simm.s32 $0x13280  }
0xbe: {  	[tilespmem:s15], [sflag:$0x2] =	stream.indirect_vreg.gather [hbm4b:s1+s0], $0x80, v6, vm0, $0xb8;
	[tilespmem:$0x14280] =	vst v63  }
0xbf: {  	s15 =	simm.s32 $0x13A80  }
0xc0: {  	[tilespmem:s15], [sflag:$0x2] =	stream.indirect_vreg.gather [hbm4b:s10+s0], $0x80, v6, vm0, $0xb8;
	[tilespmem:$0x14280] =	vst v63  }
0xc1: {  	s15 =	simm.s32 $0x0  }
0xc2: {  	v6 =	vld [tilespmem:s15+$0x0];
	_ =	sdelay $0x2  }
0xc3: {  	v7 =	vld [tilespmem:s15+$0x1000];
	_ =	sdelay $0x4  }
0xc4: {  	[tilespmem:v6+s23+$0x0] =	vst.idx.msk $0xffff, v7  }
0xc5: {  	v6 =	vld [tilespmem:s15+$0x800];
	_ =	sdelay $0x2  }
0xc6: {  	s3 =	simm.s32 $0x80;
	s0 =	simm.s32 $0x40;
	v7 =	vld [tilespmem:s15+$0x1800]  }
.LBB2_4:
0xc7: {  	_ =	sdelay $0x2  }
0xc8: {  	p1 =	sne.s32 s3, $0x1FC0  }
0xc9: {  	s15 =	sshra.s32 s0, $0x2;
	s0 =	smov.u32 s3;
	s3 =	sadd.s32 $0x40, s3;
	[tilespmem:v6+s23+$0x0] =	vst.idx.msk $0xffff, v7  }
0xca: {  	v6 =	vld [tilespmem:s15+$0x0];
	_ =	sdelay $0x2  }
0xcb: {  	v7 =	vld [tilespmem:s15+$0x1000];
	_ =	sdelay $0x4  }
.Ltmp3:
0xcc: {  	[tilespmem:v6+s23+$0x0] =	vst.idx.msk $0xffff, v7;
	(pc) =	sbr.rel @p1 .LBB2_4-.Ltmp3, $2  }
0xcd: {  	v6 =	vld [tilespmem:s15+$0x800];
	_ =	sdelay $0x2  }
0xce: {  	v7 =	vld [tilespmem:s15+$0x1800]  }
0xcf: {  	_ =	sdelay $0x4  }
0xd0: {  	s0 =	sshra.s32 s0, $0x2;
	[tilespmem:v6+s23+$0x0] =	vst.idx.msk $0xffff, v7  }
0xd1: {  	v6 =	vld [tilespmem:s0+$0x0];
	_ =	sdelay $0x2  }
0xd2: {  	v7 =	vld [tilespmem:s0+$0x1000];
	_ =	sdelay $0x4  }
0xd3: {  	[tilespmem:v6+s23+$0x0] =	vst.idx.msk $0xffff, v7  }
0xd4: {  	v6 =	vld [tilespmem:s0+$0x800];
	_ =	sdelay $0x2  }
0xd5: {  	v7 =	vld [tilespmem:s0+$0x1800];
	_ =	sdelay $0x4  }
0xd6: {  	[tilespmem:v6+s23+$0x0] =	vst.idx.msk $0xffff, v7  }
0xd7: {  	_ =	swait.ge [sflag:s25], $0x8000  }
0xd8: {  	[sflag:s25] =	ssyncset.done $0x0  }
0xd9: {  	s3 =	simm.s32 $0x0;
	[sflag:s25] =	ssyncadd.s32 $0xFFFF8000  }
0xda: {  	[hbm4b:s11+s3] =	stream.linear.scatter [tilespmem:s29], [sflag:$0x1], $0x8000, $0x38;
	[tilespmem:$0x14280] =	vst v63  }
0xdb: {  	_ =	swait.ge [sflag:s26], $0x8000  }
0xdc: {  	[sflag:s26] =	ssyncset.done $0x0  }
0xdd: {  	[sflag:s26] =	ssyncadd.s32 $0xFFFF8000  }
0xde: {  	[hbm4b:s12+s3] =	stream.linear.scatter [tilespmem:s31], [sflag:$0x2], $0x8000, $0x38;
	[tilespmem:$0x14280] =	vst v63  }
.Ltmp4:
0xdf: {  	_ = 	snop;
	(pc) =	sbr.rel @p0 .LBB2_9-.Ltmp4, $4  }
0xe0: {  	[hbm4b:s13+s3] =	stream.linear.scatter [tilespmem:s14], [sflag:$0x3], $0x80, $0x38;
	[tilespmem:$0x14280] =	vst v63  }
0xe1: {  	_ =	swait.ge [sflag:s24], $0x80  }
0xe2: {  	[sflag:s24] =	ssyncset.done $0x0  }
0xe3: {  	[sflag:s24] =	ssyncadd.s32 $0xFFFFFF80  }
0xe4: {  	s0 =	simm.s32 $0x10;
	s3 =	sand.u32 $0x1F0, s3  }
.LBB2_7:
0xe5: {  	p1 =	sne.s32 s0, $0x1F0;
	[tilespmem:s3+$0x4080] =	vst v2;
	s3 =	smov.u32 s0;
	s0 =	sadd.s32 $0x10, s0  }
.Ltmp5:
0xe6: {  	(pc) =	sbr.rel @p1 .LBB2_7-.Ltmp5, $2  }
0xe7: {  	_ =	sdelay $0x2  }
0xe8: {  	s3 =	sand.u32 $0x1F0, s3  }
.Ltmp6:
0xe9: {  	_ = 	snop;
	(pc) =	sbr.rel .LBB2_8-.Ltmp6, $1  }
0xea: {  	_ =	sdelay $0x3  }
.LBB2_10:
0xeb: {  	_ =	sfence.sel $0x180000  }
0xec: {  	[bflag:$0x0] =	sbarrier.arrive $0xFFFF  }
0xed: {  	_ =	strace $0x90000047  }
0xee: {  	s0 =	stileid.u32;
	[bflag:$0x2] =	sbarrier.arrive $0xFFFF  }
0xef: {  	p0 =	sne.s32 s0, $0x0;
	s0 =	rddreg [dreg:$0x2]  }
0xf0: {  	s0 =	sadd.s32 @!p0 $0x100000, s0  }
0xf1: {  	[sflag:s0] =	ssyncadd.tile.s32 @!p0 $0x1;
	_ =	shalt  }
.Lfunc_end2:
_tile_overlayer_lowered:
.L_overlay_start_2:
0xf2: {  	(tag) =	ssettag $0x2  }
0xf3: {  	s0 =	rddreg [dreg:$0x0];
	s2 =	stileid.u32  }
0xf4: {  	s1 =	rddreg [dreg:$0x1];
	p0 =	sne.s32 s2, $0x0  }
0xf5: {  	s3 =	rddreg [dreg:$0x2];
	[bflag:$0x3] =	sbarrier.arrive $0xFFFF;
	s2 =	simm.s32 @!p0 $0x1C03  }
0xf6: {  	[timem:s3], [sflag:s2] =	dma.local @!p0 [hbm:s0], s1  }
0xf7: {  	s0 =	simm.s32 @!p0 $0x3  }
0xf8: {  	_ =	swait.ge @!p0 [sflag:s0], s1  }
0xf9: {  	s1 =	ssub.s32 @!p0 $0x0, s1;
	[sflag:s0] =	ssyncset.done @!p0 $0x0  }
0xfa: {  	[sflag:s0] =	ssyncadd.s32 @!p0 s1  }
0xfb: {  	[bflag:$0x3] =	sbarrier.arrive $0xFFFF  }
0xfc: {  	_ =	shalt  }

// kernel: kernel.9.cloned.1.call-start
scs
__scs_entry_jumppad:
0x0: {  	(pc) =	sbr.rel $0x88, $3  }
0x1: {  	(tag) =	ssettag $0x0;
	lr =	simm.s32 $0x1  }
0x2: {  	[smem:$0x3F9C] =	sst lr;
	_ =	strace $0xD0000000  }
0x3: {  	_ = 	snop  }
0x4: {  	_ = 	snop  }
0x5: {  	_ = 	snop  }
0x6: {  	_ = 	snop  }
0x7: {  	_ = 	snop  }
__scs_overlays_trampoline_lowered:
0x8: {  	[smem:$0x3FAB] =	sst s0  }
0x9: {  	[smem:$0x3FAC] =	sst s1  }
0xa: {  	[smem:$0x3FAD] =	sst s2  }
0xb: {  	[smem:$0x3FAE] =	sst s3  }
0xc: {  	[smem:$0x3FAF] =	sst s4  }
0xd: {  	[smem:$0x3FB0] =	sst s5  }
0xe: {  	[smem:$0x3FB1] =	sst s6  }
0xf: {  	[smem:$0x3FB2] =	sst s7  }
0x10: {  	[smem:$0x3FB3] =	sst s8  }
0x11: {  	[smem:$0x3FB4] =	sst s9;
	s0 =	simm.s32 @!p0 $0x0  }
0x12: {  	s1 =	sld [smem:$0x3F9A];
	s0 =	simm.s32 @p0 $0x1  }
0x13: {  	[smem:$0x3FB5] =	sst s0;
	s0 =	simm.s32 @!p1 $0x0  }
0x14: {  	s2 =	sld [smem:$0x3F99];
	s0 =	simm.s32 @p1 $0x1  }
0x15: {  	[smem:$0x3FB6] =	sst s0;
	s0 =	simm.s32 @!p2 $0x0  }
0x16: {  	s3 =	sld [smem:$0x3FDB];
	s0 =	simm.s32 @p2 $0x1  }
0x17: {  	s4 =	simm.s32 $0x1BF5;
	[smem:$0x3FB8] =	sst s0  }
0x18: {  	s0 =	sld [smem:$0x3F9B];
	_ =	swait.ge [sflag:s4], $0x0  }
0x19: {  	s7 =	sld [smem:$0x3F9C]  }
0x1a: {  	s8 =	sadd.s32 $0xFFFFE003, lr  }
0x1b: {  	s9 =	sadd.s32 $0xFFFFFEF7, lr;
	s5 =	simm.s32 $0xFFFFFFFF;
	p2 =	slt.u32 s8, $0xFFFFF086  }
0x1c: {  	p1 =	slt.u32 s9, $0xF7A;
	s5 =	simm.s32 @!p2 $0x0  }
0x1d: {  	s5 =	simm.s32 @p1 $0x1;
	p0 =	seq.s32 s7, s2  }
0x1e: {  	s7 =	smul.u32 @!p0 $0xF7A, s2;
	p2 =	seq.s32 @!p0 s5, $0x0  }
0x1f: {  	s9 =	smul.u32 $0xF7A, s1;
	s8 =	simm.s32 @!p0 $0x1BF5;
	p2 =	por !p2, p0  }
0x20: {  	[sflag:s8] =	ssyncset.s32 @!p0 $0xFFFFF086;
	s6 =	sadd.s32 @!p0 s3, s7;
	s7 =	simm.s32 @!p0 $0x108  }
0x21: {  	s3 =	sadd.s32 s3, s9;
	s6 =	sadd.s32 @!p0 $0x88, s6;
	s7 =	simm.s32 @p2 $0x1082  }
0x22: {  	[simem:s7], [sflag:s8] =	dma.local @!p0 [hbm:s6], $0xF7A  }
0x23: {  	s9 =	sor.u32 $0xD0000000, s2;
	s6 =	simm.s32 $0x108;
	_ =	swait.ge @!p0 [sflag:s8], $0x0  }
0x24: {  	s3 =	sadd.s32 $0x88, s3;
	s6 =	simm.s32 @!p1 $0x1082;
	[sflag:s4] =	ssyncset.s32 $0xFFFFF086  }
0x25: {  	[simem:s6], [sflag:s4] =	dma.local [hbm:s3], $0xF7A  }
0x26: {  	[smem:$0x3F9C] =	sst s1;
	(tag) =	ssettag s2;
	_ =	strace s9  }
0x27: {  	s1 =	sld [smem:$0x3FAC]  }
0x28: {  	s2 =	sld [smem:$0x3FAD]  }
0x29: {  	s4 =	sld [smem:$0x3FAF]  }
0x2a: {  	p0 =	seq.s32 s5, $0x0;
	s5 =	sld [smem:$0x3FB0]  }
0x2b: {  	s6 =	sld [smem:$0x3FB1]  }
0x2c: {  	s7 =	sld [smem:$0x3FB2]  }
0x2d: {  	s3 =	simm.s32 $0x108;
	s8 =	sld [smem:$0x3FB3]  }
0x2e: {  	s3 =	simm.s32 @!p0 $0x1082;
	s9 =	sld [smem:$0x3FB4]  }
0x2f: {  	lr =	sadd.s32 s0, s3;
	s0 =	sld [smem:$0x3FAB]  }
0x30: {  	s3 =	sld [smem:$0x3FAE]  }
0x31: {  	[smem:$0x3FB7] =	sst s10  }
0x32: {  	s10 =	sld [smem:$0x3FB5];
	_ =	sdelay $0x3  }
0x33: {  	p0 =	seq.s32 s10, $0x1;
	s10 =	sld [smem:$0x3FB7];
	_ =	sdelay $0x3  }
0x34: {  	[smem:$0x3FB7] =	sst s10  }
0x35: {  	s10 =	sld [smem:$0x3FB6];
	_ =	sdelay $0x3  }
0x36: {  	p1 =	seq.s32 s10, $0x1;
	s10 =	sld [smem:$0x3FB7];
	_ =	sdelay $0x3  }
0x37: {  	[smem:$0x3FB7] =	sst s10  }
0x38: {  	s10 =	sld [smem:$0x3FB8]  }
0x39: {  	_ = 	snop;
	(pc) =	sbr.ind lr, $3  }
0x3a: {  	_ = 	snop  }
0x3b: {  	_ = 	snop  }
0x3c: {  	p2 =	seq.s32 s10, $0x1;
	s10 =	sld [smem:$0x3FB7]  }
0x3d: {  	_ =	shalt  }
0x3e: {  	_ =	shalt  }
0x3f: {  	_ =	shalt  }
0x40: {  	_ =	shalt  }
0x41: {  	_ =	shalt  }
0x42: {  	_ =	shalt  }
0x43: {  	_ =	shalt  }
0x44: {  	_ =	shalt  }
0x45: {  	_ =	shalt  }
0x46: {  	_ =	shalt  }
0x47: {  	_ =	shalt  }
0x48: {  	_ =	shalt  }
0x49: {  	_ =	shalt  }
0x4a: {  	_ =	shalt  }
0x4b: {  	_ =	shalt  }
0x4c: {  	_ =	shalt  }
0x4d: {  	_ =	shalt  }
0x4e: {  	_ =	shalt  }
0x4f: {  	_ =	shalt  }
0x50: {  	_ =	shalt  }
0x51: {  	_ =	shalt  }
0x52: {  	_ =	shalt  }
0x53: {  	_ =	shalt  }
0x54: {  	_ =	shalt  }
0x55: {  	_ =	shalt  }
0x56: {  	_ =	shalt  }
0x57: {  	_ =	shalt  }
0x58: {  	_ =	shalt  }
0x59: {  	_ =	shalt  }
0x5a: {  	_ =	shalt  }
0x5b: {  	_ =	shalt  }
0x5c: {  	_ =	shalt  }
0x5d: {  	_ =	shalt  }
0x5e: {  	_ =	shalt  }
0x5f: {  	_ =	shalt  }
0x60: {  	_ =	shalt  }
0x61: {  	_ =	shalt  }
0x62: {  	_ =	shalt  }
0x63: {  	_ =	shalt  }
0x64: {  	_ =	shalt  }
0x65: {  	_ =	shalt  }
0x66: {  	_ =	shalt  }
0x67: {  	_ =	shalt  }
0x68: {  	_ =	shalt  }
0x69: {  	_ =	shalt  }
0x6a: {  	_ =	shalt  }
0x6b: {  	_ =	shalt  }
0x6c: {  	_ =	shalt  }
0x6d: {  	_ =	shalt  }
0x6e: {  	_ =	shalt  }
0x6f: {  	_ =	shalt  }
0x70: {  	_ =	shalt  }
0x71: {  	_ =	shalt  }
0x72: {  	_ =	shalt  }
0x73: {  	_ =	shalt  }
0x74: {  	_ =	shalt  }
0x75: {  	_ =	shalt  }
0x76: {  	_ =	shalt  }
0x77: {  	_ =	shalt  }
0x78: {  	_ =	shalt  }
0x79: {  	_ =	shalt  }
0x7a: {  	_ =	shalt  }
0x7b: {  	_ =	shalt  }
0x7c: {  	_ =	shalt  }
0x7d: {  	_ =	shalt  }
0x7e: {  	_ =	shalt  }
0x7f: {  	_ =	shalt  }
0x80: {  	_ =	shalt  }
0x81: {  	_ =	shalt  }
0x82: {  	_ =	shalt  }
0x83: {  	_ =	shalt  }
0x84: {  	_ =	shalt  }
0x85: {  	_ =	shalt  }
0x86: {  	_ =	shalt  }
0x87: {  	_ =	shalt  }
.Lfunc_end0:
.L_simem_size_0:
called_computation.1_lowered:
.L_overlay_start_0:
0x88: {  	s2 =	sld [smem:$0x3FD9]  }
0x89: {  	s3 =	sld [smem:$0x3FFE];
	_ =	sdelay $0x1  }
0x8a: {  	s1 =	srdreg.scid  }
0x8b: {  	s0 =	sand.u32 $0x1, s1  }
0x8c: {  	s17 =	sshll.u32 s0, $0xA;
	s2 =	sadd.s32 s3, s2  }
0x8d: {  	s2 =	sadd.s32 s2, s17  }
0x8e: {  	[smem:$0x3FC3] =	sst s2  }
0x8f: {  	_ = 	snop  }
0x90: {  	s2 =	sld [smem:$0x3FD0];
	(tm) =	ssettm $0x1  }
0x91: {  	s18 =	sld [smem:$0x3FFB];
	_ =	sdelay $0x3  }
0x92: {  	_ =	strace s18  }
0x93: {  	s3 =	sld [smem:$0x3FFC];
	_ =	sdelay $0x3  }
0x94: {  	_ =	strace s3  }
0x95: {  	s3 =	sld [smem:$0x3FFD];
	_ =	sdelay $0x3  }
0x96: {  	_ =	strace s3  }
0x97: {  	_ =	strace $0x8FFFFFFF  }
0x98: {  	s19 =	sld [smem:$0x3FDB];
	_ =	sdelay $0x1  }
0x99: {  	s4 =	simm.s32 $_scs_section_size  }
0x9a: {  	s5 =	simm.s32 $_size__tile_overlayer_lowered;
	s6 =	simm.s32 $_tile_overlayer_lowered  }
0x9b: {  	s22 =	simm.s32 $0x1BFF;
	s21 =	sshll.u32 s6, $0x1;
	s3 =	sadd.s32 s4, s19  }
0x9c: {  	s7 =	simm.s32 $0x0;
	s20 =	sshll.u32 s5, $0x1;
	s5 =	sadd.s32 s21, s3  }
0x9d: {  	[timem:s7], [sflag:s22] =	dma.local [hbm:s5], s20  }
0x9e: {  	_ =	swait.ge [sflag:s22], s20  }
0x9f: {  	s4 =	ssub.s32 $0x0, s20;
	[sflag:s22] =	ssyncset.done $0x0  }
0xa0: {  	[sflag:s22] =	ssyncadd.s32 s4;
	_ =	sdelay $0x1  }
0xa1: {  	s23 =	simm.s32 $0x1B8B  }
0xa2: {  	_ =	swait.ge [sflag:s23], $0x1  }
0xa3: {  	[sflag:s23] =	ssyncset.done $0x0  }
0xa4: {  	s25 =	simm.s32 $0x1B8E;
	s24 =	sld [smem:$0x3FFE];
	[sflag:s23] =	ssyncadd.s32 $0xFFFFFFFF  }
0xa5: {  	s26 =	simm.s32 $execute0_lowered;
	[smem:$0x3FD2] =	sst s25  }
0xa6: {  	s5 =	sshll.u32 s26, $0x1;
	_ =	strace $0x80000049;
	[dreg:$0x1] =	wrdreg $0xFFFFFFFF  }
0xa7: {  	s28 =	simm.s32 $_size_execute0_lowered;
	s3 =	sadd.s32 s3, s5;
	[dreg:$0x0] =	wrdreg $0x0  }
0xa8: {  	s5 =	sshll.u32 s28, $0x1;
	[dreg:$0x2] =	wrdreg s3  }
0xa9: {  	[dreg:$0x3] =	wrdreg s5  }
0xaa: {  	[dreg:$0x4] =	wrdreg $0xC0  }
0xab: {  	_ =	task [dreg:s7], $0x5FFFF  }
0xac: {  	[dreg:$0x1] =	wrdreg $0xFFFFFFFF  }
0xad: {  	[dreg:$0x0] =	wrdreg $0x60  }
0xae: {  	[dreg:$0x2] =	wrdreg s24  }
0xaf: {  	[dreg:$0x3] =	wrdreg s2  }
0xb0: {  	[dreg:$0x4] =	wrdreg $0x9  }
0xb1: {  	_ =	task.clear_ibuf [dreg:s7], $0x5FFFF;
	_ =	strace $0x90000049  }
0xb2: {  	s29 =	simm.s32 $0x9;
	_ =	strace $0x8000004B  }
0xb3: {  	_ =	swait.ge [sflag:s29], $0x1  }
0xb4: {  	[sflag:s29] =	ssyncadd.s32 $0xFFFFFFFF  }
0xb5: {  	_ =	strace $0x9000004B  }
0xb6: {  	_ =	sfence  }
0xb7: {  	s30 =	sld [smem:$0x0];
	_ =	sdelay $0x2  }
0xb8: {  	s31 =	sshll.u32 s1, $0xD;
	s1 =	sshrl.u32 s1, $0x2  }
0xb9: {  	s3 =	sand.u32 $0x4000, s31;
	s1 =	sadd.s32 s1, s30  }
0xba: {  	s0 =	sor.u32 s3, s0;
	s1 =	sshll.u32 s1, $0x11  }
0xbb: {  	s0 =	sor.u32 s1, s0  }
0xbc: {  	s0 =	sadd.s32 $0x8F2B, s0  }
0xbd: {  	[sflag:s0] =	ssyncadd.remote.s32 $0x1  }
0xbe: {  	_ =	sfence.sel $0xFFFF  }
0xbf: {  	[dreg:$0x0] =	wrdreg $0xFFFFFFFF;
	(pc) =	sbr.abs _section_cstart, $3  }
0xc0: {  	[dreg:$0x1] =	wrdreg $0xFFFFFFFF  }
0xc1: {  	_ =	task.clear_ibuf [dreg:s7], $0x2FFFF;
	_ =	strace $0x9FFFFFFF  }
0xc2: {  	(tm) =	ssettm $0x7FFFFFFF  }
0xc3: {  	_ =	shalt  }
tec
execute0_lowered:
.L_overlay_start_1:
0x0: {  	(tag) =	ssettag $0x1  }
0x1: {  	s0 =	srdreg.scid;
	s1 =	rddreg [dreg:$0x0]  }
0x2: {  	s2 =	stileid.u32;
	s4 =	rddreg [dreg:$0x1]  }
0x3: {  	s12 =	simm.s32 $0x7;
	s23 =	simm.s32 $0x4900;
	s28 =	simm.s32 $0x6900  }
0x4: {  	s29 =	simm.s32 $0x7100;
	s30 =	simm.s32 $0x7900;
	s31 =	simm.s32 $0x1  }
0x5: {  	s13 =	simm.s32 $0x3;
	s14 =	simm.s32 $0x4;
	s15 =	simm.s32 $0xC100  }
0x6: {  	s16 =	simm.s32 $0x5;
	s17 =	simm.s32 $0x6;
	s0 =	sand.u32 $0x1, s0  }
0x7: {  	s3 =	sshll.u32 s2, $0x7;
	s2 =	simm.s32 $0x0;
	s5 =	sshll.u32 s0, $0x6  }
0x8: {  	[smem:$0x7FF] =	sst s2;
	s0 =	ssub.s32 $0x2, s0;
	s5 =	sor.u32 s5, s3  }
0x9: {  	_ =	strace $0x8000004A;
	s7 =	sshrl.u32 s0, $0x1;
	s3 =	sshrl.u32 s5, $0x3  }
0xa: {  	s5 =	sshll.u32 s5, $0x7;
	s0 =	ssub.s32 s0, s7;
	s7 =	sadd.s32 $0x2D00, s1  }
0xb: {  	s6 =	sadd.s32 s3, s1;
	s3 =	sadd.s32 $0x2C00, s1;
	s5 =	sadd.s32 s4, s5  }
0xc: {  	s11 =	smax.u32 s0, $0x1;
	s1 =	simm.s32 $0x2;
	s24 =	sadd.s32 $0x2800, s6  }
0xd: {  	s0 =	simm.s32 $0x8100;
	s25 =	sadd.s32 $0x2A00, s6;
	[dreg:$0x3] =	wrdreg s24  }
0xe: {  	v2 =	vlaneseq.u32;
	s4 =	simm.s32 $0x0;
	s26 =	sadd.s32 $0x800, s5;
	[dreg:$0x4] =	wrdreg s25  }
0xf: {  	vm0 =	vmmov $0xffff;
	v1 =	vshrl.u32 v2, $0x3;
	s9 =	sadd.s32 $0x1000, s5;
	s10 =	sadd.s32 $0x1800, s5;
	[dreg:$0x5] =	wrdreg s26  }
0x10: {  	v0 =	vand.u32 $0x7, v2;
	v2 =	vor.u32 $0x8, v2;
	v1 =	vmul.u32 $0x8, v1;
	s24 =	simm.s32 $0x5100;
	s25 =	simm.s32 $0x5900;
	s26 =	simm.s32 $0x6100  }
.LBB2_1:
0x11: {  	s6 =	rddreg [dreg:$0x3]  }
0x12: {  	[tilespmem:s2], [sflag:$0x7] =	stream.linear.gather [hbm4b:s6+s2], $0x40, $0x38;
	[tilespmem:$0x10100] =	vst v63  }
0x13: {  	_ =	swait.ge [sflag:s12], $0x40  }
0x14: {  	[sflag:s12] =	ssyncset.done $0x0  }
0x15: {  	s8 =	simm.s32 $0x80;
	s19 =	rddreg [dreg:$0x4];
	[sflag:s12] =	ssyncadd.s32 $0xFFFFFFC0  }
0x16: {  	[tilespmem:s8], [sflag:$0x7] =	stream.linear.gather [hbm4b:s19+s2], $0x40, $0x38;
	[tilespmem:$0x10100] =	vst v63  }
0x17: {  	_ =	swait.ge [sflag:s12], $0x40  }
0x18: {  	[sflag:s12] =	ssyncset.done $0x0  }
0x19: {  	[sflag:s12] =	ssyncadd.s32 $0xFFFFFFC0  }
0x1a: {  	v3 =	vld [tilespmem:$0x0];
	_ =	sdelay $0x4  }
0x1b: {  	v4 =	vshll.u32 v3, $0x2  }
0x1c: {  	v3 =	vand.u32 $0x7, v3;
	v4 =	vand.u32 $0xFFFFFFE0, v4  }
0x1d: {  	v3 =	vor.u32 v3, v4  }
0x1e: {  	v4 =	vperm.xlane v3, v0;
	_ =	sdelay $0x1  }
0x1f: {  	v4 =	vadd.s32 v1, v4;
	_ =	sdelay $0x1  }
0x20: {  	v3 =	vperm.xlane v3, v2;
	_ =	sdelay $0x1  }
0x21: {  	s20 =	simm.s32 $0x100;
	v3 =	vadd.s32 v1, v3  }
0x22: {  	[tilespmem:s20], [sflag:$0x1] =	stream.indirect_vreg.gather [hbm4b:s3+s2], $0x80, v4, vm0, $0xb8;
	[tilespmem:$0x10100] =	vst v63  }
0x23: {  	s21 =	simm.s32 $0x900  }
0x24: {  	[tilespmem:s21], [sflag:$0x1] =	stream.indirect_vreg.gather [hbm4b:s7+s2], $0x80, v4, vm0, $0xb8;
	[tilespmem:$0x10100] =	vst v63  }
0x25: {  	s22 =	simm.s32 $0x1100  }
0x26: {  	[tilespmem:s22], [sflag:$0x1] =	stream.indirect_vreg.gather [hbm4b:s3+s2], $0x80, v3, vm0, $0xb8;
	[tilespmem:$0x10100] =	vst v63  }
0x27: {  	s8 =	simm.s32 $0x1900  }
0x28: {  	[tilespmem:s8], [sflag:$0x1] =	stream.indirect_vreg.gather [hbm4b:s7+s2], $0x80, v3, vm0, $0xb8;
	[tilespmem:$0x10100] =	vst v63  }
0x29: {  	v3 =	vld [tilespmem:$0x80];
	_ =	sdelay $0x4  }
0x2a: {  	v61 =	vshll.u32 v3, $0x2  }
0x2b: {  	v3 =	vand.u32 $0x7, v3;
	v4 =	vand.u32 $0xFFFFFFE0, v61  }
0x2c: {  	v3 =	vor.u32 v3, v4  }
0x2d: {  	v4 =	vperm.xlane v3, v0;
	_ =	sdelay $0x1  }
0x2e: {  	v4 =	vadd.s32 v1, v4;
	_ =	sdelay $0x1  }
0x2f: {  	v3 =	vperm.xlane v3, v2;
	_ =	sdelay $0x1  }
0x30: {  	s18 =	simm.s32 $0x2100;
	v3 =	vadd.s32 v1, v3  }
0x31: {  	[tilespmem:s18], [sflag:$0x2] =	stream.indirect_vreg.gather [hbm4b:s3+s2], $0x80, v4, vm0, $0xb8;
	[tilespmem:$0x10100] =	vst v63  }
0x32: {  	s19 =	simm.s32 $0x2900  }
0x33: {  	[tilespmem:s19], [sflag:$0x2] =	stream.indirect_vreg.gather [hbm4b:s7+s2], $0x80, v4, vm0, $0xb8;
	[tilespmem:$0x10100] =	vst v63  }
0x34: {  	s20 =	simm.s32 $0x3100  }
0x35: {  	[tilespmem:s20], [sflag:$0x2] =	stream.indirect_vreg.gather [hbm4b:s3+s2], $0x80, v3, vm0, $0xb8;
	[tilespmem:$0x10100] =	vst v63  }
0x36: {  	s21 =	simm.s32 $0x3900  }
0x37: {  	[tilespmem:s21], [sflag:$0x2] =	stream.indirect_vreg.gather [hbm4b:s7+s2], $0x80, v3, vm0, $0xb8;
	[tilespmem:$0x10100] =	vst v63  }
0x38: {  	v3 =	vld [tilespmem:$0x10];
	_ =	sdelay $0x4  }
0x39: {  	v62 =	vshll.u32 v3, $0x2  }
0x3a: {  	v3 =	vand.u32 $0x7, v3;
	v4 =	vand.u32 $0xFFFFFFE0, v62  }
0x3b: {  	v3 =	vor.u32 v3, v4  }
0x3c: {  	v4 =	vperm.xlane v3, v0;
	_ =	sdelay $0x1  }
0x3d: {  	v4 =	vadd.s32 v1, v4;
	_ =	sdelay $0x1  }
0x3e: {  	v3 =	vperm.xlane v3, v2;
	_ =	sdelay $0x1  }
0x3f: {  	s22 =	simm.s32 $0x4100;
	v3 =	vadd.s32 v1, v3  }
0x40: {  	[tilespmem:s22], [sflag:$0x3] =	stream.indirect_vreg.gather [hbm4b:s3+s2], $0x80, v4, vm0, $0xb8;
	[tilespmem:$0x10100] =	vst v63  }
0x41: {  	_ = 	snop  }
0x42: {  	[tilespmem:s23], [sflag:$0x3] =	stream.indirect_vreg.gather [hbm4b:s7+s2], $0x80, v4, vm0, $0xb8;
	[tilespmem:$0x10100] =	vst v63  }
0x43: {  	_ = 	snop  }
0x44: {  	[tilespmem:s24], [sflag:$0x3] =	stream.indirect_vreg.gather [hbm4b:s3+s2], $0x80, v3, vm0, $0xb8;
	[tilespmem:$0x10100] =	vst v63  }
0x45: {  	_ = 	snop  }
0x46: {  	[tilespmem:s25], [sflag:$0x3] =	stream.indirect_vreg.gather [hbm4b:s7+s2], $0x80, v3, vm0, $0xb8;
	[tilespmem:$0x10100] =	vst v63  }
0x47: {  	v3 =	vld [tilespmem:$0x90];
	_ =	sdelay $0x4  }
0x48: {  	v63 =	vshll.u32 v3, $0x2  }
0x49: {  	v3 =	vand.u32 $0x7, v3;
	v4 =	vand.u32 $0xFFFFFFE0, v63  }
0x4a: {  	v3 =	vor.u32 v3, v4  }
0x4b: {  	v4 =	vperm.xlane v3, v0;
	_ =	sdelay $0x1  }
0x4c: {  	v4 =	vadd.s32 v1, v4;
	_ =	sdelay $0x1  }
0x4d: {  	v3 =	vperm.xlane v3, v2;
	_ =	sdelay $0x1  }
0x4e: {  	v3 =	vadd.s32 v1, v3  }
0x4f: {  	[tilespmem:s26], [sflag:$0x4] =	stream.indirect_vreg.gather [hbm4b:s3+s2], $0x80, v4, vm0, $0xb8;
	[tilespmem:$0x10100] =	vst v63  }
0x50: {  	_ = 	snop  }
0x51: {  	[tilespmem:s28], [sflag:$0x4] =	stream.indirect_vreg.gather [hbm4b:s7+s2], $0x80, v4, vm0, $0xb8;
	[tilespmem:$0x10100] =	vst v63  }
0x52: {  	_ = 	snop  }
0x53: {  	[tilespmem:s29], [sflag:$0x4] =	stream.indirect_vreg.gather [hbm4b:s3+s2], $0x80, v3, vm0, $0xb8;
	[tilespmem:$0x10100] =	vst v63  }
0x54: {  	_ = 	snop  }
0x55: {  	[tilespmem:s30], [sflag:$0x4] =	stream.indirect_vreg.gather [hbm4b:s7+s2], $0x80, v3, vm0, $0xb8;
	[tilespmem:$0x10100] =	vst v63  }
0x56: {  	_ =	swait.ge [sflag:s31], $0x2000  }
0x57: {  	[sflag:s31] =	ssyncset.done $0x0  }
0x58: {  	[sflag:s31] =	ssyncadd.s32 $0xFFFFE000  }
0x59: {  	_ =	swait.ge [sflag:s1], $0x2000  }
0x5a: {  	[sflag:s1] =	ssyncset.done $0x0  }
0x5b: {  	s18 =	simm.s32 $0x0;
	s19 =	simm.s32 $0x0;
	[sflag:s1] =	ssyncadd.s32 $0xFFFFE000  }
.LBB2_2:
0x5c: {  	s6 =	sshrl.u32 s19, $0x3;
	s8 =	sshll.u32 s18, $0x9  }
0x5d: {  	s20 =	sshll.u32 s6, $0xE;
	s8 =	sand.u32 $0xE00, s8  }
0x5e: {  	s20 =	sor.u32 s8, s20  }
0x5f: {  	s20 =	sshrl.u32 s20, $0x2  }
0x60: {  	s21 =	sadd.s32 $0x140, s20  }
0x61: {  	s20 =	sadd.s32 $0x2140, s20;
	v4 =	vld [tilespmem:s21+$0x30]  }
0x62: {  	v5 =	vld [tilespmem:s20+$0x30]  }
0x63: {  	v3 =	vld [tilespmem:s20+$0xFFFFFFC0]  }
0x64: {  	v6 =	vld [tilespmem:s21+$0xFFFFFFD0]  }
0x65: {  	v7 =	vld [tilespmem:s20+$0xFFFFFFD0]  }
0x66: {  	v8 =	vld [tilespmem:s21+$0xFFFFFFE0]  }
0x67: {  	s6 =	sshll.u32 s6, $0xF;
	v9 =	vld [tilespmem:s20+$0xFFFFFFE0]  }
0x68: {  	s6 =	sor.u32 s8, s6;
	v10 =	vld [tilespmem:s20+$0xFFFFFFF0];
	v4 =	vadd.bf16 v5, v4  }
0x69: {  	s6 =	sshrl.u32 s6, $0x2;
	v5 =	vld [tilespmem:s21+$0xFFFFFFF0]  }
0x6a: {  	s6 =	sadd.s32 $0x9100, s6;
	v12 =	vld [tilespmem:s21+$0x0];
	v6 =	vadd.bf16 v7, v6;
	v11 =	vunpack.i.u.bf16.f32 v4  }
0x6b: {  	v13 =	vld [tilespmem:s20+$0x0];
	v7 =	vunpack.i.l.bf16.f32 v4;
	[tilespmem:s6+$0x70] =	vst v11  }
0x6c: {  	v8 =	vadd.bf16 v9, v8;
	v4 =	vld [tilespmem:s21+$0x10];
	v11 =	vunpack.i.l.bf16.f32 v6;
	[tilespmem:s6+$0xFFFFF070] =	vst v7  }
0x6d: {  	v7 =	vunpack.i.u.bf16.f32 v6;
	v6 =	vld [tilespmem:s20+$0x10];
	[tilespmem:s6+$0xFFFFF010] =	vst v11  }
0x6e: {  	[tilespmem:s6+$0x10] =	vst v7;
	v7 =	vunpack.i.l.bf16.f32 v8;
	v9 =	vadd.bf16 v10, v5;
	v5 =	vld [tilespmem:s21+$0x20]  }
0x6f: {  	v10 =	vunpack.i.u.bf16.f32 v8;
	[tilespmem:s6+$0xFFFFF020] =	vst v7;
	v8 =	vld [tilespmem:s20+$0x20]  }
0x70: {  	s8 =	simm.s32 $0x0;
	s22 =	sadd.s32 $0x400, s21;
	v7 =	vld [tilespmem:s21+$0xFFFFFFC0];
	s21 =	smov.u32 s6;
	[tilespmem:s6+$0x20] =	vst v10;
	v10 =	vunpack.i.u.bf16.f32 v9;
	v11 =	vunpack.i.l.bf16.f32 v9;
	v9 =	vadd.bf16 v13, v12  }
.LBB2_3:
0x71: {  	v12 =	vld [tilespmem:s22+$0x30];
	[tilespmem:s6+$0xFFFFF030] =	vst v11;
	s20 =	sadd.s32 $0x400, s20  }
0x72: {  	s8 =	sadd.s32 $0x80, s8;
	v11 =	vld [tilespmem:s20+$0x30];
	[tilespmem:s6+$0x30] =	vst v10;
	v10 =	vunpack.i.u.bf16.f32 v9;
	v9 =	vunpack.i.l.bf16.f32 v9;
	v4 =	vadd.bf16 v6, v4  }
0x73: {  	p0 =	slt.u32 s8, $0x180;
	v6 =	vld [tilespmem:s20+$0xFFFFFFC0];
	[tilespmem:s6+$0xFFFFF040] =	vst v9  }
0x74: {  	v9 =	vld [tilespmem:s22+$0xFFFFFFD0];
	[tilespmem:s6+$0x40] =	vst v10;
	v10 =	vunpack.i.u.bf16.f32 v4;
	v4 =	vunpack.i.l.bf16.f32 v4;
	v5 =	vadd.bf16 v8, v5  }
0x75: {  	v8 =	vld [tilespmem:s20+$0xFFFFFFD0];
	v14 =	vadd.bf16 v3, v7;
	[tilespmem:s6+$0xFFFFF050] =	vst v4  }
0x76: {  	v4 =	vld [tilespmem:s22+$0xFFFFFFE0];
	[tilespmem:s6+$0x50] =	vst v10;
	v7 =	vunpack.i.u.bf16.f32 v5;
	v5 =	vunpack.i.l.bf16.f32 v5  }
0x77: {  	v10 =	vld [tilespmem:s20+$0xFFFFFFE0];
	v11 =	vadd.bf16 v11, v12;
	v12 =	vunpack.i.u.bf16.f32 v14;
	v13 =	vunpack.i.l.bf16.f32 v14;
	[tilespmem:s6+$0xFFFFF060] =	vst v5  }
0x78: {  	v5 =	vld [tilespmem:s22+$0xFFFFFFF0];
	[tilespmem:s6+$0xFFFFF000] =	vst v13;
	v3 =	vmov v6  }
0x79: {  	s6 =	sadd.s32 $0x400, s6;
	v13 =	vld [tilespmem:s20+$0xFFFFFFF0];
	v6 =	vunpack.i.u.bf16.f32 v11;
	v11 =	vunpack.i.l.bf16.f32 v11;
	[tilespmem:s21+$0x0] =	vst v12  }
0x7a: {  	v8 =	vadd.bf16 v8, v9;
	v9 =	vld [tilespmem:s22+$0x0];
	[tilespmem:s6+$0x70] =	vst v6  }
0x7b: {  	v12 =	vld [tilespmem:s20+$0x0];
	[tilespmem:s21+$0x60] =	vst v7;
	s21 =	smov.u32 s6  }
.Ltmp0:
0x7c: {  	v7 =	vunpack.i.u.bf16.f32 v8;
	v6 =	vunpack.i.l.bf16.f32 v8;
	v8 =	vadd.bf16 v10, v4;
	v4 =	vld [tilespmem:s22+$0x10];
	[tilespmem:s6+$0xFFFFF070] =	vst v11;
	(pc) =	sbr.rel @p0 .LBB2_3-.Ltmp0, $4  }
0x7d: {  	[tilespmem:s6+$0xFFFFF010] =	vst v6;
	v6 =	vld [tilespmem:s20+$0x10]  }
0x7e: {  	[tilespmem:s6+$0x10] =	vst v7;
	v10 =	vunpack.i.u.bf16.f32 v8;
	v7 =	vunpack.i.l.bf16.f32 v8;
	v11 =	vadd.bf16 v13, v5;
	v5 =	vld [tilespmem:s22+$0x20]  }
0x7f: {  	[tilespmem:s6+$0xFFFFF020] =	vst v7;
	v8 =	vld [tilespmem:s20+$0x20]  }
0x80: {  	v7 =	vld [tilespmem:s22+$0xFFFFFFC0];
	[tilespmem:s6+$0x20] =	vst v10;
	v10 =	vunpack.i.u.bf16.f32 v11;
	v11 =	vunpack.i.l.bf16.f32 v11;
	v9 =	vadd.bf16 v12, v9;
	s22 =	sadd.s32 $0x400, s22  }
0x81: {  	[tilespmem:s6+$0xFFFFF030] =	vst v11  }
0x82: {  	[tilespmem:s6+$0x30] =	vst v10;
	v58 =	vunpack.i.l.bf16.f32 v9;
	v4 =	vadd.bf16 v6, v4  }
0x83: {  	v59 =	vunpack.i.u.bf16.f32 v9;
	[tilespmem:s6+$0xFFFFF040] =	vst v58  }
0x84: {  	s19 =	sadd.s32 $0x1, s19;
	[tilespmem:s6+$0x40] =	vst v59;
	v60 =	vunpack.i.l.bf16.f32 v4;
	v5 =	vadd.bf16 v8, v5  }
0x85: {  	p0 =	sne.s32 s19, $0x10;
	v4 =	vunpack.i.u.bf16.f32 v4;
	v3 =	vadd.bf16 v3, v7;
	[tilespmem:s6+$0xFFFFF050] =	vst v60  }
.Ltmp1:
0x86: {  	[tilespmem:s6+$0x50] =	vst v4;
	v61 =	vunpack.i.l.bf16.f32 v5;
	(pc) =	sbr.rel @p0 .LBB2_2-.Ltmp1, $4  }
0x87: {  	v62 =	vunpack.i.l.bf16.f32 v3;
	[tilespmem:s6+$0xFFFFF060] =	vst v61  }
0x88: {  	v63 =	vunpack.i.u.bf16.f32 v5;
	[tilespmem:s6+$0xFFFFF000] =	vst v62  }
0x89: {  	v3 =	vunpack.i.u.bf16.f32 v3;
	[tilespmem:s21+$0x60] =	vst v63  }
0x8a: {  	s18 =	sadd.s32 $0x1, s18;
	[tilespmem:s21+$0x0] =	vst v3  }
0x8b: {  	v3 =	vld [tilespmem:$0x20];
	_ =	sdelay $0x4  }
0x8c: {  	v4 =	vshll.u32 v3, $0x2  }
0x8d: {  	v3 =	vand.u32 $0x7, v3;
	v4 =	vand.u32 $0xFFFFFFE0, v4  }
0x8e: {  	v3 =	vor.u32 v3, v4  }
0x8f: {  	v4 =	vperm.xlane v3, v0;
	_ =	sdelay $0x1  }
0x90: {  	v4 =	vadd.s32 v1, v4;
	_ =	sdelay $0x1  }
0x91: {  	v3 =	vperm.xlane v3, v2;
	_ =	sdelay $0x1  }
0x92: {  	s18 =	simm.s32 $0x0;
	s6 =	simm.s32 $0x100;
	v3 =	vadd.s32 v1, v3  }
0x93: {  	[tilespmem:s6], [sflag:$0x1] =	stream.indirect_vreg.gather [hbm4b:s3+s18], $0x80, v4, vm0, $0xb8;
	[tilespmem:$0x10100] =	vst v63  }
0x94: {  	s21 =	simm.s32 $0x900  }
0x95: {  	[tilespmem:s21], [sflag:$0x1] =	stream.indirect_vreg.gather [hbm4b:s7+s18], $0x80, v4, vm0, $0xb8;
	[tilespmem:$0x10100] =	vst v63  }
0x96: {  	s22 =	simm.s32 $0x1100  }
0x97: {  	[tilespmem:s22], [sflag:$0x1] =	stream.indirect_vreg.gather [hbm4b:s3+s18], $0x80, v3, vm0, $0xb8;
	[tilespmem:$0x10100] =	vst v63  }
0x98: {  	s8 =	simm.s32 $0x1900  }
0x99: {  	[tilespmem:s8], [sflag:$0x1] =	stream.indirect_vreg.gather [hbm4b:s7+s18], $0x80, v3, vm0, $0xb8;
	[tilespmem:$0x10100] =	vst v63  }
0x9a: {  	v3 =	vld [tilespmem:$0xA0];
	_ =	sdelay $0x4  }
0x9b: {  	v63 =	vshll.u32 v3, $0x2  }
0x9c: {  	v3 =	vand.u32 $0x7, v3;
	v4 =	vand.u32 $0xFFFFFFE0, v63  }
0x9d: {  	v3 =	vor.u32 v3, v4  }
0x9e: {  	v4 =	vperm.xlane v3, v0;
	_ =	sdelay $0x1  }
0x9f: {  	v4 =	vadd.s32 v1, v4;
	_ =	sdelay $0x1  }
0xa0: {  	v3 =	vperm.xlane v3, v2;
	_ =	sdelay $0x1  }
0xa1: {  	s19 =	simm.s32 $0x2100;
	v3 =	vadd.s32 v1, v3  }
0xa2: {  	[tilespmem:s19], [sflag:$0x2] =	stream.indirect_vreg.gather [hbm4b:s3+s18], $0x80, v4, vm0, $0xb8;
	[tilespmem:$0x10100] =	vst v63  }
0xa3: {  	s20 =	simm.s32 $0x2900  }
0xa4: {  	[tilespmem:s20], [sflag:$0x2] =	stream.indirect_vreg.gather [hbm4b:s7+s18], $0x80, v4, vm0, $0xb8;
	[tilespmem:$0x10100] =	vst v63  }
0xa5: {  	s21 =	simm.s32 $0x3100  }
0xa6: {  	[tilespmem:s21], [sflag:$0x2] =	stream.indirect_vreg.gather [hbm4b:s3+s18], $0x80, v3, vm0, $0xb8;
	[tilespmem:$0x10100] =	vst v63  }
0xa7: {  	s22 =	simm.s32 $0x3900  }
0xa8: {  	[tilespmem:s22], [sflag:$0x2] =	stream.indirect_vreg.gather [hbm4b:s7+s18], $0x80, v3, vm0, $0xb8;
	[tilespmem:$0x10100] =	vst v63  }
0xa9: {  	_ = 	snop  }
0xaa: {  	[hbm4b:s5+s18] =	stream.linear.scatter [tilespmem:s0], [sflag:$0x5], $0x4000, $0x38;
	[tilespmem:$0x10100] =	vst v63  }
0xab: {  	_ =	swait.ge [sflag:s13], $0x2000  }
0xac: {  	[sflag:s13] =	ssyncset.done $0x0  }
0xad: {  	[sflag:s13] =	ssyncadd.s32 $0xFFFFE000  }
0xae: {  	_ =	swait.ge [sflag:s14], $0x2000  }
0xaf: {  	[sflag:s14] =	ssyncset.done $0x0  }
0xb0: {  	s19 =	simm.s32 $0x0;
	[sflag:s14] =	ssyncadd.s32 $0xFFFFE000  }
.LBB2_6:
0xb1: {  	s6 =	sshrl.u32 s19, $0x3;
	s8 =	sshll.u32 s18, $0x9  }
0xb2: {  	s20 =	sshll.u32 s6, $0xE;
	s8 =	sand.u32 $0xE00, s8  }
0xb3: {  	s20 =	sor.u32 s8, s20  }
0xb4: {  	s20 =	sshrl.u32 s20, $0x2  }
0xb5: {  	s21 =	sadd.s32 $0x4140, s20  }
0xb6: {  	s20 =	sadd.s32 $0x6140, s20;
	v4 =	vld [tilespmem:s21+$0x30]  }
0xb7: {  	v5 =	vld [tilespmem:s20+$0x30]  }
0xb8: {  	v3 =	vld [tilespmem:s20+$0xFFFFFFC0]  }
0xb9: {  	v6 =	vld [tilespmem:s21+$0xFFFFFFD0]  }
0xba: {  	v7 =	vld [tilespmem:s20+$0xFFFFFFD0]  }
0xbb: {  	v8 =	vld [tilespmem:s21+$0xFFFFFFE0]  }
0xbc: {  	s6 =	sshll.u32 s6, $0xF;
	v9 =	vld [tilespmem:s20+$0xFFFFFFE0]  }
0xbd: {  	s6 =	sor.u32 s8, s6;
	v10 =	vld [tilespmem:s20+$0xFFFFFFF0];
	v4 =	vadd.bf16 v5, v4  }
0xbe: {  	s6 =	sshrl.u32 s6, $0x2;
	v5 =	vld [tilespmem:s21+$0xFFFFFFF0]  }
0xbf: {  	s6 =	sadd.s32 $0xD100, s6;
	v12 =	vld [tilespmem:s21+$0x0];
	v6 =	vadd.bf16 v7, v6;
	v11 =	vunpack.i.u.bf16.f32 v4  }
0xc0: {  	v13 =	vld [tilespmem:s20+$0x0];
	v7 =	vunpack.i.l.bf16.f32 v4;
	[tilespmem:s6+$0x70] =	vst v11  }
0xc1: {  	v8 =	vadd.bf16 v9, v8;
	v4 =	vld [tilespmem:s21+$0x10];
	v11 =	vunpack.i.l.bf16.f32 v6;
	[tilespmem:s6+$0xFFFFF070] =	vst v7  }
0xc2: {  	v7 =	vunpack.i.u.bf16.f32 v6;
	v6 =	vld [tilespmem:s20+$0x10];
	[tilespmem:s6+$0xFFFFF010] =	vst v11  }
0xc3: {  	[tilespmem:s6+$0x10] =	vst v7;
	v7 =	vunpack.i.l.bf16.f32 v8;
	v9 =	vadd.bf16 v10, v5;
	v5 =	vld [tilespmem:s21+$0x20]  }
0xc4: {  	v10 =	vunpack.i.u.bf16.f32 v8;
	[tilespmem:s6+$0xFFFFF020] =	vst v7;
	v8 =	vld [tilespmem:s20+$0x20]  }
0xc5: {  	s8 =	simm.s32 $0x0;
	s22 =	sadd.s32 $0x400, s21;
	v7 =	vld [tilespmem:s21+$0xFFFFFFC0];
	s21 =	smov.u32 s6;
	[tilespmem:s6+$0x20] =	vst v10;
	v10 =	vunpack.i.u.bf16.f32 v9;
	v11 =	vunpack.i.l.bf16.f32 v9;
	v9 =	vadd.bf16 v13, v12  }
.LBB2_7:
0xc6: {  	v12 =	vld [tilespmem:s22+$0x30];
	[tilespmem:s6+$0xFFFFF030] =	vst v11;
	s20 =	sadd.s32 $0x400, s20  }
0xc7: {  	s8 =	sadd.s32 $0x80, s8;
	v11 =	vld [tilespmem:s20+$0x30];
	[tilespmem:s6+$0x30] =	vst v10;
	v10 =	vunpack.i.u.bf16.f32 v9;
	v9 =	vunpack.i.l.bf16.f32 v9;
	v4 =	vadd.bf16 v6, v4  }
0xc8: {  	p0 =	slt.u32 s8, $0x180;
	v6 =	vld [tilespmem:s20+$0xFFFFFFC0];
	[tilespmem:s6+$0xFFFFF040] =	vst v9  }
0xc9: {  	v9 =	vld [tilespmem:s22+$0xFFFFFFD0];
	[tilespmem:s6+$0x40] =	vst v10;
	v10 =	vunpack.i.u.bf16.f32 v4;
	v4 =	vunpack.i.l.bf16.f32 v4;
	v5 =	vadd.bf16 v8, v5  }
0xca: {  	v8 =	vld [tilespmem:s20+$0xFFFFFFD0];
	v14 =	vadd.bf16 v3, v7;
	[tilespmem:s6+$0xFFFFF050] =	vst v4  }
0xcb: {  	v4 =	vld [tilespmem:s22+$0xFFFFFFE0];
	[tilespmem:s6+$0x50] =	vst v10;
	v7 =	vunpack.i.u.bf16.f32 v5;
	v5 =	vunpack.i.l.bf16.f32 v5  }
0xcc: {  	v10 =	vld [tilespmem:s20+$0xFFFFFFE0];
	v11 =	vadd.bf16 v11, v12;
	v12 =	vunpack.i.u.bf16.f32 v14;
	v13 =	vunpack.i.l.bf16.f32 v14;
	[tilespmem:s6+$0xFFFFF060] =	vst v5  }
0xcd: {  	v5 =	vld [tilespmem:s22+$0xFFFFFFF0];
	[tilespmem:s6+$0xFFFFF000] =	vst v13;
	v3 =	vmov v6  }
0xce: {  	s6 =	sadd.s32 $0x400, s6;
	v13 =	vld [tilespmem:s20+$0xFFFFFFF0];
	v6 =	vunpack.i.u.bf16.f32 v11;
	v11 =	vunpack.i.l.bf16.f32 v11;
	[tilespmem:s21+$0x0] =	vst v12  }
0xcf: {  	v8 =	vadd.bf16 v8, v9;
	v9 =	vld [tilespmem:s22+$0x0];
	[tilespmem:s6+$0x70] =	vst v6  }
0xd0: {  	v12 =	vld [tilespmem:s20+$0x0];
	[tilespmem:s21+$0x60] =	vst v7;
	s21 =	smov.u32 s6  }
.Ltmp2:
0xd1: {  	v7 =	vunpack.i.u.bf16.f32 v8;
	v6 =	vunpack.i.l.bf16.f32 v8;
	v8 =	vadd.bf16 v10, v4;
	v4 =	vld [tilespmem:s22+$0x10];
	[tilespmem:s6+$0xFFFFF070] =	vst v11;
	(pc) =	sbr.rel @p0 .LBB2_7-.Ltmp2, $4  }
0xd2: {  	[tilespmem:s6+$0xFFFFF010] =	vst v6;
	v6 =	vld [tilespmem:s20+$0x10]  }
0xd3: {  	[tilespmem:s6+$0x10] =	vst v7;
	v10 =	vunpack.i.u.bf16.f32 v8;
	v7 =	vunpack.i.l.bf16.f32 v8;
	v11 =	vadd.bf16 v13, v5;
	v5 =	vld [tilespmem:s22+$0x20]  }
0xd4: {  	[tilespmem:s6+$0xFFFFF020] =	vst v7;
	v8 =	vld [tilespmem:s20+$0x20]  }
0xd5: {  	v7 =	vld [tilespmem:s22+$0xFFFFFFC0];
	[tilespmem:s6+$0x20] =	vst v10;
	v10 =	vunpack.i.u.bf16.f32 v11;
	v11 =	vunpack.i.l.bf16.f32 v11;
	v9 =	vadd.bf16 v12, v9;
	s22 =	sadd.s32 $0x400, s22  }
0xd6: {  	[tilespmem:s6+$0xFFFFF030] =	vst v11  }
0xd7: {  	[tilespmem:s6+$0x30] =	vst v10;
	v58 =	vunpack.i.l.bf16.f32 v9;
	v4 =	vadd.bf16 v6, v4  }
0xd8: {  	v59 =	vunpack.i.u.bf16.f32 v9;
	[tilespmem:s6+$0xFFFFF040] =	vst v58  }
0xd9: {  	s19 =	sadd.s32 $0x1, s19;
	[tilespmem:s6+$0x40] =	vst v59;
	v60 =	vunpack.i.l.bf16.f32 v4;
	v5 =	vadd.bf16 v8, v5  }
0xda: {  	p0 =	sne.s32 s19, $0x10;
	v4 =	vunpack.i.u.bf16.f32 v4;
	v3 =	vadd.bf16 v3, v7;
	[tilespmem:s6+$0xFFFFF050] =	vst v60  }
.Ltmp3:
0xdb: {  	[tilespmem:s6+$0x50] =	vst v4;
	v61 =	vunpack.i.l.bf16.f32 v5;
	(pc) =	sbr.rel @p0 .LBB2_6-.Ltmp3, $4  }
0xdc: {  	v62 =	vunpack.i.l.bf16.f32 v3;
	[tilespmem:s6+$0xFFFFF060] =	vst v61  }
0xdd: {  	v63 =	vunpack.i.u.bf16.f32 v5;
	[tilespmem:s6+$0xFFFFF000] =	vst v62  }
0xde: {  	v3 =	vunpack.i.u.bf16.f32 v3;
	[tilespmem:s21+$0x60] =	vst v63  }
0xdf: {  	s18 =	sadd.s32 $0x1, s18;
	[tilespmem:s21+$0x0] =	vst v3  }
0xe0: {  	v3 =	vld [tilespmem:$0x30];
	_ =	sdelay $0x4  }
0xe1: {  	v4 =	vshll.u32 v3, $0x2  }
0xe2: {  	v3 =	vand.u32 $0x7, v3;
	v4 =	vand.u32 $0xFFFFFFE0, v4  }
0xe3: {  	v3 =	vor.u32 v3, v4  }
0xe4: {  	v4 =	vperm.xlane v3, v0;
	_ =	sdelay $0x1  }
0xe5: {  	v4 =	vadd.s32 v1, v4;
	_ =	sdelay $0x1  }
0xe6: {  	v3 =	vperm.xlane v3, v2;
	_ =	sdelay $0x1  }
0xe7: {  	s18 =	simm.s32 $0x0;
	s6 =	simm.s32 $0x4100;
	v3 =	vadd.s32 v1, v3  }
0xe8: {  	[tilespmem:s6], [sflag:$0x3] =	stream.indirect_vreg.gather [hbm4b:s3+s18], $0x80, v4, vm0, $0xb8;
	[tilespmem:$0x10100] =	vst v63  }
0xe9: {  	_ = 	snop  }
0xea: {  	[tilespmem:s23], [sflag:$0x3] =	stream.indirect_vreg.gather [hbm4b:s7+s18], $0x80, v4, vm0, $0xb8;
	[tilespmem:$0x10100] =	vst v63  }
0xeb: {  	_ = 	snop  }
0xec: {  	[tilespmem:s24], [sflag:$0x3] =	stream.indirect_vreg.gather [hbm4b:s3+s18], $0x80, v3, vm0, $0xb8;
	[tilespmem:$0x10100] =	vst v63  }
0xed: {  	_ = 	snop  }
0xee: {  	[tilespmem:s25], [sflag:$0x3] =	stream.indirect_vreg.gather [hbm4b:s7+s18], $0x80, v3, vm0, $0xb8;
	[tilespmem:$0x10100] =	vst v63  }
0xef: {  	v3 =	vld [tilespmem:$0xB0];
	_ =	sdelay $0x4  }
0xf0: {  	v63 =	vshll.u32 v3, $0x2  }
0xf1: {  	v3 =	vand.u32 $0x7, v3;
	v4 =	vand.u32 $0xFFFFFFE0, v63  }
0xf2: {  	v3 =	vor.u32 v3, v4  }
0xf3: {  	v4 =	vperm.xlane v3, v0;
	_ =	sdelay $0x1  }
0xf4: {  	v4 =	vadd.s32 v1, v4;
	_ =	sdelay $0x1  }
0xf5: {  	v3 =	vperm.xlane v3, v2;
	_ =	sdelay $0x1  }
0xf6: {  	v3 =	vadd.s32 v1, v3  }
0xf7: {  	[tilespmem:s26], [sflag:$0x4] =	stream.indirect_vreg.gather [hbm4b:s3+s18], $0x80, v4, vm0, $0xb8;
	[tilespmem:$0x10100] =	vst v63  }
0xf8: {  	_ = 	snop  }
0xf9: {  	[tilespmem:s28], [sflag:$0x4] =	stream.indirect_vreg.gather [hbm4b:s7+s18], $0x80, v4, vm0, $0xb8;
	[tilespmem:$0x10100] =	vst v63  }
0xfa: {  	_ = 	snop  }
0xfb: {  	[tilespmem:s29], [sflag:$0x4] =	stream.indirect_vreg.gather [hbm4b:s3+s18], $0x80, v3, vm0, $0xb8;
	[tilespmem:$0x10100] =	vst v63  }
0xfc: {  	_ = 	snop  }
0xfd: {  	[tilespmem:s30], [sflag:$0x4] =	stream.indirect_vreg.gather [hbm4b:s7+s18], $0x80, v3, vm0, $0xb8;
	[tilespmem:$0x10100] =	vst v63  }
0xfe: {  	s22 =	rddreg [dreg:$0x5]  }
0xff: {  	[hbm4b:s22+s18] =	stream.linear.scatter [tilespmem:s15], [sflag:$0x6], $0x4000, $0x38;
	[tilespmem:$0x10100] =	vst v63  }
0x100: {  	_ =	swait.ge [sflag:s31], $0x2000  }
0x101: {  	[sflag:s31] =	ssyncset.done $0x0  }
0x102: {  	[sflag:s31] =	ssyncadd.s32 $0xFFFFE000  }
0x103: {  	_ =	swait.ge [sflag:s1], $0x2000  }
0x104: {  	[sflag:s1] =	ssyncset.done $0x0  }
0x105: {  	[sflag:s1] =	ssyncadd.s32 $0xFFFFE000  }
0x106: {  	_ =	swait.ge [sflag:s16], $0x4000  }
0x107: {  	[sflag:s16] =	ssyncset.done $0x0  }
0x108: {  	s19 =	simm.s32 $0x0;
	[sflag:s16] =	ssyncadd.s32 $0xFFFFC000  }
.LBB2_10:
0x109: {  	s6 =	sshrl.u32 s19, $0x3;
	s8 =	sshll.u32 s18, $0x9  }
0x10a: {  	s20 =	sshll.u32 s6, $0xE;
	s8 =	sand.u32 $0xE00, s8  }
0x10b: {  	s20 =	sor.u32 s8, s20  }
0x10c: {  	s20 =	sshrl.u32 s20, $0x2  }
0x10d: {  	s21 =	sadd.s32 $0x140, s20  }
0x10e: {  	s20 =	sadd.s32 $0x2140, s20;
	v4 =	vld [tilespmem:s21+$0x30]  }
0x10f: {  	v5 =	vld [tilespmem:s20+$0x30]  }
0x110: {  	v3 =	vld [tilespmem:s20+$0xFFFFFFC0]  }
0x111: {  	v6 =	vld [tilespmem:s21+$0xFFFFFFD0]  }
0x112: {  	v7 =	vld [tilespmem:s20+$0xFFFFFFD0]  }
0x113: {  	v8 =	vld [tilespmem:s21+$0xFFFFFFE0]  }
0x114: {  	s6 =	sshll.u32 s6, $0xF;
	v9 =	vld [tilespmem:s20+$0xFFFFFFE0]  }
0x115: {  	s6 =	sor.u32 s8, s6;
	v10 =	vld [tilespmem:s20+$0xFFFFFFF0];
	v4 =	vadd.bf16 v5, v4  }
0x116: {  	s6 =	sshrl.u32 s6, $0x2;
	v5 =	vld [tilespmem:s21+$0xFFFFFFF0]  }
0x117: {  	s6 =	sadd.s32 $0x9100, s6;
	v12 =	vld [tilespmem:s21+$0x0];
	v6 =	vadd.bf16 v7, v6;
	v11 =	vunpack.i.u.bf16.f32 v4  }
0x118: {  	v13 =	vld [tilespmem:s20+$0x0];
	v7 =	vunpack.i.l.bf16.f32 v4;
	[tilespmem:s6+$0x70] =	vst v11  }
0x119: {  	v8 =	vadd.bf16 v9, v8;
	v4 =	vld [tilespmem:s21+$0x10];
	v11 =	vunpack.i.l.bf16.f32 v6;
	[tilespmem:s6+$0xFFFFF070] =	vst v7  }
0x11a: {  	v7 =	vunpack.i.u.bf16.f32 v6;
	v6 =	vld [tilespmem:s20+$0x10];
	[tilespmem:s6+$0xFFFFF010] =	vst v11  }
0x11b: {  	[tilespmem:s6+$0x10] =	vst v7;
	v7 =	vunpack.i.l.bf16.f32 v8;
	v9 =	vadd.bf16 v10, v5;
	v5 =	vld [tilespmem:s21+$0x20]  }
0x11c: {  	v10 =	vunpack.i.u.bf16.f32 v8;
	[tilespmem:s6+$0xFFFFF020] =	vst v7;
	v8 =	vld [tilespmem:s20+$0x20]  }
0x11d: {  	s8 =	simm.s32 $0x0;
	s22 =	sadd.s32 $0x400, s21;
	v7 =	vld [tilespmem:s21+$0xFFFFFFC0];
	s21 =	smov.u32 s6;
	[tilespmem:s6+$0x20] =	vst v10;
	v10 =	vunpack.i.u.bf16.f32 v9;
	v11 =	vunpack.i.l.bf16.f32 v9;
	v9 =	vadd.bf16 v13, v12  }
.LBB2_11:
0x11e: {  	v12 =	vld [tilespmem:s22+$0x30];
	[tilespmem:s6+$0xFFFFF030] =	vst v11;
	s20 =	sadd.s32 $0x400, s20  }
0x11f: {  	s8 =	sadd.s32 $0x80, s8;
	v11 =	vld [tilespmem:s20+$0x30];
	[tilespmem:s6+$0x30] =	vst v10;
	v10 =	vunpack.i.u.bf16.f32 v9;
	v9 =	vunpack.i.l.bf16.f32 v9;
	v4 =	vadd.bf16 v6, v4  }
0x120: {  	p0 =	slt.u32 s8, $0x180;
	v6 =	vld [tilespmem:s20+$0xFFFFFFC0];
	[tilespmem:s6+$0xFFFFF040] =	vst v9  }
0x121: {  	v9 =	vld [tilespmem:s22+$0xFFFFFFD0];
	[tilespmem:s6+$0x40] =	vst v10;
	v10 =	vunpack.i.u.bf16.f32 v4;
	v4 =	vunpack.i.l.bf16.f32 v4;
	v5 =	vadd.bf16 v8, v5  }
0x122: {  	v8 =	vld [tilespmem:s20+$0xFFFFFFD0];
	v14 =	vadd.bf16 v3, v7;
	[tilespmem:s6+$0xFFFFF050] =	vst v4  }
0x123: {  	v4 =	vld [tilespmem:s22+$0xFFFFFFE0];
	[tilespmem:s6+$0x50] =	vst v10;
	v7 =	vunpack.i.u.bf16.f32 v5;
	v5 =	vunpack.i.l.bf16.f32 v5  }
0x124: {  	v10 =	vld [tilespmem:s20+$0xFFFFFFE0];
	v11 =	vadd.bf16 v11, v12;
	v12 =	vunpack.i.u.bf16.f32 v14;
	v13 =	vunpack.i.l.bf16.f32 v14;
	[tilespmem:s6+$0xFFFFF060] =	vst v5  }
0x125: {  	v5 =	vld [tilespmem:s22+$0xFFFFFFF0];
	[tilespmem:s6+$0xFFFFF000] =	vst v13;
	v3 =	vmov v6  }
0x126: {  	s6 =	sadd.s32 $0x400, s6;
	v13 =	vld [tilespmem:s20+$0xFFFFFFF0];
	v6 =	vunpack.i.u.bf16.f32 v11;
	v11 =	vunpack.i.l.bf16.f32 v11;
	[tilespmem:s21+$0x0] =	vst v12  }
0x127: {  	v8 =	vadd.bf16 v8, v9;
	v9 =	vld [tilespmem:s22+$0x0];
	[tilespmem:s6+$0x70] =	vst v6  }
0x128: {  	v12 =	vld [tilespmem:s20+$0x0];
	[tilespmem:s21+$0x60] =	vst v7;
	s21 =	smov.u32 s6  }
.Ltmp4:
0x129: {  	v7 =	vunpack.i.u.bf16.f32 v8;
	v6 =	vunpack.i.l.bf16.f32 v8;
	v8 =	vadd.bf16 v10, v4;
	v4 =	vld [tilespmem:s22+$0x10];
	[tilespmem:s6+$0xFFFFF070] =	vst v11;
	(pc) =	sbr.rel @p0 .LBB2_11-.Ltmp4, $4  }
0x12a: {  	[tilespmem:s6+$0xFFFFF010] =	vst v6;
	v6 =	vld [tilespmem:s20+$0x10]  }
0x12b: {  	[tilespmem:s6+$0x10] =	vst v7;
	v10 =	vunpack.i.u.bf16.f32 v8;
	v7 =	vunpack.i.l.bf16.f32 v8;
	v11 =	vadd.bf16 v13, v5;
	v5 =	vld [tilespmem:s22+$0x20]  }
0x12c: {  	[tilespmem:s6+$0xFFFFF020] =	vst v7;
	v8 =	vld [tilespmem:s20+$0x20]  }
0x12d: {  	v7 =	vld [tilespmem:s22+$0xFFFFFFC0];
	[tilespmem:s6+$0x20] =	vst v10;
	v10 =	vunpack.i.u.bf16.f32 v11;
	v11 =	vunpack.i.l.bf16.f32 v11;
	v9 =	vadd.bf16 v12, v9;
	s22 =	sadd.s32 $0x400, s22  }
0x12e: {  	[tilespmem:s6+$0xFFFFF030] =	vst v11  }
0x12f: {  	[tilespmem:s6+$0x30] =	vst v10;
	v58 =	vunpack.i.l.bf16.f32 v9;
	v4 =	vadd.bf16 v6, v4  }
0x130: {  	v59 =	vunpack.i.u.bf16.f32 v9;
	[tilespmem:s6+$0xFFFFF040] =	vst v58  }
0x131: {  	s19 =	sadd.s32 $0x1, s19;
	[tilespmem:s6+$0x40] =	vst v59;
	v60 =	vunpack.i.l.bf16.f32 v4;
	v5 =	vadd.bf16 v8, v5  }
0x132: {  	p0 =	sne.s32 s19, $0x10;
	v4 =	vunpack.i.u.bf16.f32 v4;
	v3 =	vadd.bf16 v3, v7;
	[tilespmem:s6+$0xFFFFF050] =	vst v60  }
.Ltmp5:
0x133: {  	[tilespmem:s6+$0x50] =	vst v4;
	v61 =	vunpack.i.l.bf16.f32 v5;
	(pc) =	sbr.rel @p0 .LBB2_10-.Ltmp5, $4  }
0x134: {  	v62 =	vunpack.i.l.bf16.f32 v3;
	[tilespmem:s6+$0xFFFFF060] =	vst v61  }
0x135: {  	v63 =	vunpack.i.u.bf16.f32 v5;
	[tilespmem:s6+$0xFFFFF000] =	vst v62  }
0x136: {  	v3 =	vunpack.i.u.bf16.f32 v3;
	[tilespmem:s21+$0x60] =	vst v63  }
0x137: {  	s18 =	sadd.s32 $0x1, s18;
	[tilespmem:s21+$0x0] =	vst v3  }
0x138: {  	s18 =	simm.s32 $0x0  }
0x139: {  	[hbm4b:s9+s18] =	stream.linear.scatter [tilespmem:s0], [sflag:$0x5], $0x4000, $0x38;
	[tilespmem:$0x10100] =	vst v63  }
0x13a: {  	_ =	swait.ge [sflag:s13], $0x2000  }
0x13b: {  	[sflag:s13] =	ssyncset.done $0x0  }
0x13c: {  	[sflag:s13] =	ssyncadd.s32 $0xFFFFE000  }
0x13d: {  	_ =	swait.ge [sflag:s14], $0x2000  }
0x13e: {  	[sflag:s14] =	ssyncset.done $0x0  }
0x13f: {  	[sflag:s14] =	ssyncadd.s32 $0xFFFFE000  }
0x140: {  	_ =	swait.ge [sflag:s17], $0x4000  }
0x141: {  	[sflag:s17] =	ssyncset.done $0x0  }
0x142: {  	s19 =	simm.s32 $0x0;
	[sflag:s17] =	ssyncadd.s32 $0xFFFFC000  }
.LBB2_14:
0x143: {  	s6 =	sshrl.u32 s19, $0x3;
	s8 =	sshll.u32 s18, $0x9  }
0x144: {  	s20 =	sshll.u32 s6, $0xE;
	s8 =	sand.u32 $0xE00, s8  }
0x145: {  	s20 =	sor.u32 s8, s20  }
0x146: {  	s20 =	sshrl.u32 s20, $0x2  }
0x147: {  	s21 =	sadd.s32 $0x4140, s20  }
0x148: {  	s20 =	sadd.s32 $0x6140, s20;
	v4 =	vld [tilespmem:s21+$0x30]  }
0x149: {  	v5 =	vld [tilespmem:s20+$0x30]  }
0x14a: {  	v3 =	vld [tilespmem:s20+$0xFFFFFFC0]  }
0x14b: {  	v6 =	vld [tilespmem:s21+$0xFFFFFFD0]  }
0x14c: {  	v7 =	vld [tilespmem:s20+$0xFFFFFFD0]  }
0x14d: {  	v8 =	vld [tilespmem:s21+$0xFFFFFFE0]  }
0x14e: {  	s6 =	sshll.u32 s6, $0xF;
	v9 =	vld [tilespmem:s20+$0xFFFFFFE0]  }
0x14f: {  	s6 =	sor.u32 s8, s6;
	v10 =	vld [tilespmem:s20+$0xFFFFFFF0];
	v4 =	vadd.bf16 v5, v4  }
0x150: {  	s6 =	sshrl.u32 s6, $0x2;
	v5 =	vld [tilespmem:s21+$0xFFFFFFF0]  }
0x151: {  	s6 =	sadd.s32 $0xD100, s6;
	v12 =	vld [tilespmem:s21+$0x0];
	v6 =	vadd.bf16 v7, v6;
	v11 =	vunpack.i.u.bf16.f32 v4  }
0x152: {  	v13 =	vld [tilespmem:s20+$0x0];
	v7 =	vunpack.i.l.bf16.f32 v4;
	[tilespmem:s6+$0x70] =	vst v11  }
0x153: {  	v8 =	vadd.bf16 v9, v8;
	v4 =	vld [tilespmem:s21+$0x10];
	v11 =	vunpack.i.l.bf16.f32 v6;
	[tilespmem:s6+$0xFFFFF070] =	vst v7  }
0x154: {  	v7 =	vunpack.i.u.bf16.f32 v6;
	v6 =	vld [tilespmem:s20+$0x10];
	[tilespmem:s6+$0xFFFFF010] =	vst v11  }
0x155: {  	[tilespmem:s6+$0x10] =	vst v7;
	v7 =	vunpack.i.l.bf16.f32 v8;
	v9 =	vadd.bf16 v10, v5;
	v5 =	vld [tilespmem:s21+$0x20]  }
0x156: {  	v10 =	vunpack.i.u.bf16.f32 v8;
	[tilespmem:s6+$0xFFFFF020] =	vst v7;
	v8 =	vld [tilespmem:s20+$0x20]  }
0x157: {  	s8 =	simm.s32 $0x0;
	s22 =	sadd.s32 $0x400, s21;
	v7 =	vld [tilespmem:s21+$0xFFFFFFC0];
	s21 =	smov.u32 s6;
	[tilespmem:s6+$0x20] =	vst v10;
	v10 =	vunpack.i.u.bf16.f32 v9;
	v11 =	vunpack.i.l.bf16.f32 v9;
	v9 =	vadd.bf16 v13, v12  }
.LBB2_15:
0x158: {  	v12 =	vld [tilespmem:s22+$0x30];
	[tilespmem:s6+$0xFFFFF030] =	vst v11;
	s20 =	sadd.s32 $0x400, s20  }
0x159: {  	s8 =	sadd.s32 $0x80, s8;
	v11 =	vld [tilespmem:s20+$0x30];
	[tilespmem:s6+$0x30] =	vst v10;
	v10 =	vunpack.i.u.bf16.f32 v9;
	v9 =	vunpack.i.l.bf16.f32 v9;
	v4 =	vadd.bf16 v6, v4  }
0x15a: {  	p0 =	slt.u32 s8, $0x180;
	v6 =	vld [tilespmem:s20+$0xFFFFFFC0];
	[tilespmem:s6+$0xFFFFF040] =	vst v9  }
0x15b: {  	v9 =	vld [tilespmem:s22+$0xFFFFFFD0];
	[tilespmem:s6+$0x40] =	vst v10;
	v10 =	vunpack.i.u.bf16.f32 v4;
	v4 =	vunpack.i.l.bf16.f32 v4;
	v5 =	vadd.bf16 v8, v5  }
0x15c: {  	v8 =	vld [tilespmem:s20+$0xFFFFFFD0];
	v14 =	vadd.bf16 v3, v7;
	[tilespmem:s6+$0xFFFFF050] =	vst v4  }
0x15d: {  	v4 =	vld [tilespmem:s22+$0xFFFFFFE0];
	[tilespmem:s6+$0x50] =	vst v10;
	v7 =	vunpack.i.u.bf16.f32 v5;
	v5 =	vunpack.i.l.bf16.f32 v5  }
0x15e: {  	v10 =	vld [tilespmem:s20+$0xFFFFFFE0];
	v11 =	vadd.bf16 v11, v12;
	v12 =	vunpack.i.u.bf16.f32 v14;
	v13 =	vunpack.i.l.bf16.f32 v14;
	[tilespmem:s6+$0xFFFFF060] =	vst v5  }
0x15f: {  	v5 =	vld [tilespmem:s22+$0xFFFFFFF0];
	[tilespmem:s6+$0xFFFFF000] =	vst v13;
	v3 =	vmov v6  }
0x160: {  	s6 =	sadd.s32 $0x400, s6;
	v13 =	vld [tilespmem:s20+$0xFFFFFFF0];
	v6 =	vunpack.i.u.bf16.f32 v11;
	v11 =	vunpack.i.l.bf16.f32 v11;
	[tilespmem:s21+$0x0] =	vst v12  }
0x161: {  	v8 =	vadd.bf16 v8, v9;
	v9 =	vld [tilespmem:s22+$0x0];
	[tilespmem:s6+$0x70] =	vst v6  }
0x162: {  	v12 =	vld [tilespmem:s20+$0x0];
	[tilespmem:s21+$0x60] =	vst v7;
	s21 =	smov.u32 s6  }
.Ltmp6:
0x163: {  	v7 =	vunpack.i.u.bf16.f32 v8;
	v6 =	vunpack.i.l.bf16.f32 v8;
	v8 =	vadd.bf16 v10, v4;
	v4 =	vld [tilespmem:s22+$0x10];
	[tilespmem:s6+$0xFFFFF070] =	vst v11;
	(pc) =	sbr.rel @p0 .LBB2_15-.Ltmp6, $4  }
0x164: {  	[tilespmem:s6+$0xFFFFF010] =	vst v6;
	v6 =	vld [tilespmem:s20+$0x10]  }
0x165: {  	[tilespmem:s6+$0x10] =	vst v7;
	v10 =	vunpack.i.u.bf16.f32 v8;
	v7 =	vunpack.i.l.bf16.f32 v8;
	v11 =	vadd.bf16 v13, v5;
	v5 =	vld [tilespmem:s22+$0x20]  }
0x166: {  	[tilespmem:s6+$0xFFFFF020] =	vst v7;
	v8 =	vld [tilespmem:s20+$0x20]  }
0x167: {  	v7 =	vld [tilespmem:s22+$0xFFFFFFC0];
	[tilespmem:s6+$0x20] =	vst v10;
	v10 =	vunpack.i.u.bf16.f32 v11;
	v11 =	vunpack.i.l.bf16.f32 v11;
	v9 =	vadd.bf16 v12, v9;
	s22 =	sadd.s32 $0x400, s22  }
0x168: {  	[tilespmem:s6+$0xFFFFF030] =	vst v11  }
0x169: {  	[tilespmem:s6+$0x30] =	vst v10;
	v58 =	vunpack.i.l.bf16.f32 v9;
	v4 =	vadd.bf16 v6, v4  }
0x16a: {  	v59 =	vunpack.i.u.bf16.f32 v9;
	[tilespmem:s6+$0xFFFFF040] =	vst v58  }
0x16b: {  	s19 =	sadd.s32 $0x1, s19;
	[tilespmem:s6+$0x40] =	vst v59;
	v60 =	vunpack.i.l.bf16.f32 v4;
	v5 =	vadd.bf16 v8, v5  }
0x16c: {  	p0 =	sne.s32 s19, $0x10;
	v4 =	vunpack.i.u.bf16.f32 v4;
	v3 =	vadd.bf16 v3, v7;
	[tilespmem:s6+$0xFFFFF050] =	vst v60  }
.Ltmp7:
0x16d: {  	[tilespmem:s6+$0x50] =	vst v4;
	v61 =	vunpack.i.l.bf16.f32 v5;
	(pc) =	sbr.rel @p0 .LBB2_14-.Ltmp7, $4  }
0x16e: {  	v62 =	vunpack.i.l.bf16.f32 v3;
	[tilespmem:s6+$0xFFFFF060] =	vst v61  }
0x16f: {  	v63 =	vunpack.i.u.bf16.f32 v5;
	[tilespmem:s6+$0xFFFFF000] =	vst v62  }
0x170: {  	v3 =	vunpack.i.u.bf16.f32 v3;
	[tilespmem:s21+$0x60] =	vst v63  }
0x171: {  	s18 =	sadd.s32 $0x1, s18;
	[tilespmem:s21+$0x0] =	vst v3  }
0x172: {  	[hbm4b:s10+s2] =	stream.linear.scatter [tilespmem:s15], [sflag:$0x6], $0x4000, $0x38;
	[tilespmem:$0x10100] =	vst v63  }
0x173: {  	s4 =	sadd.s32 $0x1, s4  }
0x174: {  	_ =	swait.ge [sflag:s16], $0x4000;
	p0 =	sne.s32 s4, s11  }
.Ltmp8:
0x175: {  	[sflag:s16] =	ssyncset.done $0x0;
	(pc) =	sbr.rel @p0 .LBB2_1-.Ltmp8, $4  }
0x176: {  	[sflag:s16] =	ssyncadd.s32 $0xFFFFC000  }
0x177: {  	_ =	swait.ge [sflag:s17], $0x4000  }
0x178: {  	[sflag:s17] =	ssyncset.done $0x0  }
0x179: {  	[sflag:s17] =	ssyncadd.s32 $0xFFFFC000  }
0x17a: {  	_ =	sfence.sel $0x180000  }
0x17b: {  	[bflag:$0x0] =	sbarrier.arrive $0xFFFF  }
0x17c: {  	_ =	strace $0x9000004A  }
0x17d: {  	s0 =	stileid.u32;
	[bflag:$0x2] =	sbarrier.arrive $0xFFFF  }
0x17e: {  	p0 =	sne.s32 s0, $0x0;
	s0 =	rddreg [dreg:$0x2]  }
0x17f: {  	s0 =	sadd.s32 @!p0 $0x100000, s0  }
0x180: {  	[sflag:s0] =	ssyncadd.tile.s32 @!p0 $0x1;
	_ =	shalt  }
.Lfunc_end2:
_tile_overlayer_lowered:
.L_overlay_start_2:
0x181: {  	(tag) =	ssettag $0x2  }
0x182: {  	s0 =	rddreg [dreg:$0x0];
	s2 =	stileid.u32  }
0x183: {  	s1 =	rddreg [dreg:$0x1];
	p0 =	sne.s32 s2, $0x0  }
0x184: {  	s3 =	rddreg [dreg:$0x2];
	[bflag:$0x3] =	sbarrier.arrive $0xFFFF;
	s2 =	simm.s32 @!p0 $0x1C07  }
0x185: {  	[timem:s3], [sflag:s2] =	dma.local @!p0 [hbm:s0], s1  }
0x186: {  	s0 =	simm.s32 @!p0 $0x7  }
0x187: {  	_ =	swait.ge @!p0 [sflag:s0], s1  }
0x188: {  	s1 =	ssub.s32 @!p0 $0x0, s1;
	[sflag:s0] =	ssyncset.done @!p0 $0x0  }
0x189: {  	[sflag:s0] =	ssyncadd.s32 @!p0 s1  }
0x18a: {  	[bflag:$0x3] =	sbarrier.arrive $0xFFFF  }
0x18b: {  	_ =	shalt  }

</sc_bundles>
